<compile_context>
chip_gen: v7x
topology: tpu7x:2x2x1
jax: 0.10.2.dev20260603
libtpu: 0.0.44.dev20260713+nightly
codegen_flags: <defaults>
</compile_context>

<pallas_src>
import jax
import jax.numpy as jnp
from jax import lax
from jax.experimental import pallas as pl
from jax.experimental.pallas import tpu as pltpu
from jax.experimental.pallas import tpu_sc as plsc

N_SLOTS = 16
SLOT_SIZE = 4096
DECAY = 0.95
CAPACITY = 4
L = 16
NC = 2
NS = 16
NW = NC * NS
CHUNK = N_SLOTS * SLOT_SIZE // NW
BIG = 3.0e38


def _rsqrt_newton(x):
    i = lax.bitcast_convert_type(x, jnp.int32)
    i = jnp.int32(0x5F3759DF) - lax.shift_right_logical(i, 1)
    y = lax.bitcast_convert_type(i, jnp.float32)
    for _ in range(3):
        y = y * (1.5 - 0.5 * x * y * y)
    return y


_GDN = lax.GatherDimensionNumbers(offset_dims=(), collapsed_slice_dims=(0,),
                                  start_index_map=(0,))


def _permute(v, idx):
    return lax.gather(v, idx[:, None], _GDN, (1,),
                      mode=lax.GatherScatterMode.PROMISE_IN_BOUNDS)


def _lane(vec, j):
    return _permute(vec, jnp.full((L,), j, jnp.int32))


def _allsum(vec):
    iota = lax.iota(jnp.int32, L)
    for k in (8, 4, 2, 1):
        vec = vec + _permute(vec, iota ^ k)
    return vec


def _body(in_hbm, prm_hbm,
          slots_out, small_out,
          in_v, prm_v, chk_v, o48_v, sem_p, sem_a, sem_b, sem_o):
    wid = lax.axis_index("s") * NC + lax.axis_index("c")
    row = wid // 2
    col = (wid % 2) * CHUNK
    off = pl.multiple_of(row * SLOT_SIZE + col, CHUNK)
    iota = lax.iota(jnp.int32, L)
    one = jnp.ones((L,), jnp.float32)
    zero = jnp.zeros((L,), jnp.float32)

    @pl.when(row != 0)
    def _():
        @plsc.parallel_loop(0, CHUNK, step=8 * L, unroll=2)
        def zstep(i):
            ii = pl.multiple_of(i, 8 * L)
            for k in range(8):
                chk_v[pl.ds(ii + k * L, L)] = zero
        pltpu.sync_copy(chk_v, slots_out.at[pl.ds(off, CHUNK)])

    @pl.when(row == 0)
    def _():
        cp_p = pltpu.async_copy(prm_hbm, prm_v, sem_p)
        cp_a = pltpu.async_copy(in_hbm.at[pl.ds(0, CHUNK)],
                                in_v.at[pl.ds(0, CHUNK)], sem_a)
        cp_b = pltpu.async_copy(in_hbm.at[pl.ds(CHUNK, CHUNK)],
                                in_v.at[pl.ds(CHUNK, CHUNK)], sem_b)
        cp_p.wait()

        gsig = prm_v[0]
        rsig = prm_v[1]
        sact = prm_v[2]
        sgate = prm_v[3]
        gthr = prm_v[4]
        rstr = prm_v[5]
        mcur = prm_v[6]

        lane0 = jnp.where(iota == 0, one, 0.0)
        lane1 = jnp.where(iota == 1, one, 0.0)
        lane2 = jnp.where(iota == 2, one, 0.0)

        act_pre = sact * 0.9
        gates = 0.7 * sgate + 0.3 * jnp.clip(gsig, 0.0, 1.0)
        gs = _lane(gates, 0)
        wm = jnp.where(gs > _lane(gthr, 0), one, 0.0)

        def norm_step(i, accs):
            base = pl.multiple_of(i * (8 * L), 8 * L)
            return tuple(a + c * c for a, c in
                         ((accs[k], in_v[pl.ds(base + k * L, L)])
                          for k in range(8)))
        cp_a.wait()
        accs = lax.fori_loop(0, CHUNK // (8 * L), norm_step, (zero,) * 8)
        cp_b.wait()
        accs = lax.fori_loop(CHUNK // (8 * L), SLOT_SIZE // (8 * L),
                             norm_step, accs)
        acc = sum(accs[1:], accs[0])
        x = jnp.maximum(_allsum(acc), 1e-12)
        inorm = x * _rsqrt_newton(x)

        act0 = wm * inorm + (1.0 - wm) * _lane(act_pre, 0)
        act = lane0 * act0 + (1.0 - lane0) * act_pre

        ru = jnp.clip(rsig, 0.0, 1.0)
        rs = jnp.where(ru > 0.1, one, 0.0) * (rstr * ru)
        act = act + rs
        scale = 1.0 + rs

        activef = jnp.where(act > 0.1, one, 0.0)
        n_active = _allsum(activef)
        scores = activef * act + (1.0 - activef) * BIG
        s0 = _lane(scores, 0)
        rank0 = _allsum(jnp.where(scores < s0, one, 0.0))
        deact0 = _lane(activef, 0) \
            * jnp.where(rank0 < n_active - float(CAPACITY), one, 0.0) \
            * jnp.where(n_active > float(CAPACITY), one, 0.0)

        a = (_lane(scale, 0) * (1.0 - 0.3 * deact0)) * wm * (0.3 * gs)

        @plsc.parallel_loop(0, CHUNK, step=8 * L, unroll=2)
        def wstep(i):
            ii = pl.multiple_of(i, 8 * L)
            ci = pl.multiple_of(col, CHUNK) + ii
            for k in range(8):
                chk_v[pl.ds(ii + k * L, L)] = a * in_v[pl.ds(ci + k * L, L)]
        cp_o = pltpu.async_copy(chk_v, slots_out.at[pl.ds(off, CHUNK)], sem_o)

        @pl.when(wid == 0)
        def _():
            mc = activef * (mcur + (act * 0.5 - mcur) * 0.1) \
                + (1.0 - activef) * (mcur * 0.95)
            ml = _allsum(jnp.where(act > 0.1, one, 0.0))
            ta = _allsum(act)
            ms = _allsum(mc) * (1.0 / N_SLOTS)
            o48_v[pl.ds(0, L)] = act
            o48_v[pl.ds(L, L)] = gates
            o48_v[pl.ds(2 * L, L)] = lane0 * ml + lane1 * ta + lane2 * ms
            pltpu.sync_copy(o48_v, small_out)

        cp_o.wait()


@jax.jit
def _fwd(in_row, params):
    f32 = jnp.float32
    call = pl.kernel(
        _body,
        mesh=plsc.VectorSubcoreMesh(core_axis_name="c", subcore_axis_name="s"),
        out_type=[
            jax.ShapeDtypeStruct((N_SLOTS * SLOT_SIZE,), f32),
            jax.ShapeDtypeStruct((3 * L,), f32),
        ],
        scratch_types=[
            pltpu.VMEM((SLOT_SIZE,), f32),
            pltpu.VMEM((7, L), f32),
            pltpu.VMEM((CHUNK,), f32),
            pltpu.VMEM((3 * L,), f32),
            pltpu.SemaphoreType.DMA,
            pltpu.SemaphoreType.DMA,
            pltpu.SemaphoreType.DMA,
            pltpu.SemaphoreType.DMA,
        ],
    )
    return call(in_row, params)


def kernel(inputs, gate_signals, refresh_signals, memory_slots, slot_activities,
           slot_gates, gate_thresholds, refresh_strengths, interference_matrix,
           maintenance_currents):
    in_row = inputs[0, :SLOT_SIZE]
    params = jnp.stack([gate_signals, refresh_signals, slot_activities, slot_gates,
                        gate_thresholds, refresh_strengths, maintenance_currents])
    slots_flat, small = _fwd(in_row, params)
    return (slots_flat.reshape(N_SLOTS, SLOT_SIZE), small[0:L], small[L:2 * L],
            small[2 * L], small[2 * L + 1], small[2 * L + 2])

# --- scband reference (transcript-rebuilt; emitter-appended) ---
"""Pipeline reference for scband-biological-working-memory-87935160418554 (READ-ONLY COPY).

The authoritative reference and input builder live on the scoring server;
editing this copy changes nothing except your own understanding.
"""

import jax, jax.numpy as jnp
import numpy as np

N_SLOTS = 16
SLOT_SIZE = 4096
DECAY = 0.95
CAPACITY = 4
GATE_THRESH = 0.3
REFRESH_RATE = 0.1


def setup_inputs(seed: int = 0):
    key = jax.random.key(seed)
    k1, k2, k3 = jax.random.split(key, 3)
    return {
        "inputs": jax.random.normal(k1, (8, SLOT_SIZE), dtype=jnp.float32),
        "gate_signals": jax.random.uniform(k2, (N_SLOTS,), dtype=jnp.float32),
        "refresh_signals": jax.random.uniform(k3, (N_SLOTS,), dtype=jnp.float32),
        "memory_slots": jnp.zeros((N_SLOTS, SLOT_SIZE), jnp.float32),
        "slot_activities": jnp.zeros((N_SLOTS,), jnp.float32),
        "slot_gates": jnp.ones((N_SLOTS,), jnp.float32),
        "gate_thresholds": jnp.full((N_SLOTS,), GATE_THRESH, jnp.float32),
        "refresh_strengths": jnp.full((N_SLOTS,), REFRESH_RATE, jnp.float32),
        "interference_matrix": jnp.eye(N_SLOTS, dtype=jnp.float32) * 0.1,
        "maintenance_currents": jnp.zeros((N_SLOTS,), jnp.float32),
    }


def _safe_norm(x):
    return jnp.sqrt(jnp.maximum(jnp.sum(x * x), 1e-12))


def _forward(inputs, gate_signals, refresh_signals, memory_slots, slot_activities,
             slot_gates, gate_thresholds, refresh_strengths, interference_matrix,
             maintenance_currents, dt=1.0):
    # inputs is 2D -> target_slot = 0 (matches torch branch)
    target_slot = 0
    input_data = inputs[0, :SLOT_SIZE]

    # decay
    slots = memory_slots * DECAY
    act = slot_activities * 0.9

    # interference between slots (sequential, masked; mirrors torch double loop)
    for i in range(N_SLOTS):
        for j in range(N_SLOTS):
            if i == j:
                continue
            mask = (act[i] > 0.1) & (act[j] > 0.1)
            sim = jnp.dot(slots[i], slots[j]) / (_safe_norm(slots[i]) * _safe_norm(slots[j]) + 1e-06)
            delta = interference_matrix[i, j] * sim * slots[j] * 0.1
            slots = slots.at[i].add(-jnp.where(mask, delta, jnp.zeros_like(delta)))

    # gate update
    gate_update = jnp.clip(gate_signals[:N_SLOTS], 0.0, 1.0)
    gates = 0.7 * slot_gates + 0.3 * gate_update

    # gated write into target slot
    gs = gates[target_slot]
    write_mask = gs > gate_thresholds[target_slot]
    new_row = (1.0 - gs * 0.3) * slots[target_slot] + gs * 0.3 * input_data
    slots = slots.at[target_slot].set(jnp.where(write_mask, new_row, slots[target_slot]))
    act = act.at[target_slot].set(jnp.where(write_mask, _safe_norm(input_data), act[target_slot]))

    # refresh / rehearsal
    refresh_update = jnp.clip(refresh_signals[:N_SLOTS], 0.0, 1.0)
    rmask = refresh_update > 0.1
    rs = jnp.where(rmask, refresh_strengths * refresh_update, 0.0)
    slots = slots * (1.0 + rs)[:, None]
    act = act + rs

    # maintenance currents
    active = act > 0.1
    target_current = act * 0.5
    mc = jnp.where(active,
                   maintenance_currents + (target_current - maintenance_currents) * 0.1 * dt,
                   maintenance_currents * 0.95)

    # capacity limits: deactivate weakest among active when over capacity
    n_active = jnp.sum(active.astype(jnp.int32))
    scores = jnp.where(active, act, jnp.inf)
    rank = jnp.argsort(jnp.argsort(scores))
    deact = active & (rank < (n_active - CAPACITY)) & (n_active > CAPACITY)
    act = jnp.where(deact, act * 0.5, act)
    slots = jnp.where(deact[:, None], slots * 0.7, slots)

    memory_load = jnp.sum((act > 0.1).astype(jnp.float32))
    total_activity = jnp.sum(act)
    maintenance_strength = jnp.mean(mc)
    return (slots, act, gates, memory_load, total_activity, maintenance_strength)


def reference(inputs, gate_signals, refresh_signals, memory_slots, slot_activities,
              slot_gates, gate_thresholds, refresh_strengths, interference_matrix,
              maintenance_currents):
    return _forward(inputs, gate_signals, refresh_signals, memory_slots, slot_activities,
                    slot_gates, gate_thresholds, refresh_strengths, interference_matrix,
                    maintenance_currents)

if __name__ == "__main__":
    import jax
    _d = setup_inputs()
    print(jax.jit(kernel)(*tuple(_d.values())))

</pallas_src>

<mosaic_0001>
#map = affine_map<(d0, d1) -> (0)>
#map1 = affine_map<(d0, d1) -> (0, 0)>
module attributes {stable_mosaic.version = 14 : i64} {
  func.func @_body(%arg0: i32, %arg1: i32, %arg2: memref<4096xf32, #tpu.memory_space<hbm>>, %arg3: memref<7x16xf32, #tpu.memory_space<hbm>>, %arg4: memref<65536xf32, #tpu.memory_space<hbm>>, %arg5: memref<48xf32, #tpu.memory_space<hbm>>, %arg6: memref<4096xf32, #tpu.memory_space<vmem>>, %arg7: memref<7x16xf32, #tpu.memory_space<vmem>>, %arg8: memref<2048xf32, #tpu.memory_space<vmem>>, %arg9: memref<48xf32, #tpu.memory_space<vmem>>, %arg10: memref<!tpu.dma_semaphore, #tpu.memory_space<semaphore_mem>>, %arg11: memref<!tpu.dma_semaphore, #tpu.memory_space<semaphore_mem>>, %arg12: memref<!tpu.dma_semaphore, #tpu.memory_space<semaphore_mem>>, %arg13: memref<!tpu.dma_semaphore, #tpu.memory_space<semaphore_mem>>) attributes {dimension_semantics = [#tpu.dimension_semantics<core_parallel>, #tpu.dimension_semantics<subcore_parallel>], iteration_bounds = array<i64: 2, 16>, scalar_prefetch = 0 : i64, scratch_operands = 8 : i64, tpu.core_type = #tpu.core_type<sc_vector_subcore>, window_params = [{transform_indices = #map}, {transform_indices = #map1}, {transform_indices = #map}, {transform_indices = #map}]} {
    %mul3A = arith.constant 2 : i32
    %mul3A_0 = arith.muli %arg1, %mul3A : i32
    %add3A = arith.addi %mul3A_0, %arg0 : i32
    %jit3A = arith.constant 2 : i32
    %div3A = arith.divsi %add3A, %jit3A : i32
    %sign3A = arith.constant 0 : i32
    %sign3A_1 = arith.cmpi sgt, %add3A, %sign3A : i32
    %sign3A_2 = arith.extui %sign3A_1 : i1 to i32
    %sign3A_3 = arith.constant 0 : i32
    %sign3A_4 = arith.cmpi slt, %add3A, %sign3A_3 : i32
    %sign3A_5 = arith.extui %sign3A_4 : i1 to i32
    %sign3A_6 = arith.subi %sign3A_2, %sign3A_5 : i32
    %sign3A_7 = arith.constant 0 : i32
    %sign3A_8 = arith.cmpi sgt, %jit3A, %sign3A_7 : i32
    %sign3A_9 = arith.extui %sign3A_8 : i1 to i32
    %sign3A_10 = arith.constant 0 : i32
    %sign3A_11 = arith.cmpi slt, %jit3A, %sign3A_10 : i32
    %sign3A_12 = arith.extui %sign3A_11 : i1 to i32
    %sign3A_13 = arith.subi %sign3A_9, %sign3A_12 : i32
    %ne3A = arith.cmpi ne, %sign3A_6, %sign3A_13 : i32
    %rem3A = arith.remsi %add3A, %jit3A : i32
    %ne3A_14 = arith.constant 0 : i32
    %ne3A_15 = arith.cmpi ne, %rem3A, %ne3A_14 : i32
    %and3A = arith.andi %ne3A, %ne3A_15 : i1
    %sub3A = arith.constant 1 : i32
    %sub3A_16 = arith.subi %div3A, %sub3A : i32
    %select_n3A = arith.select %and3A, %sub3A_16, %div3A : i32
    %jit3A_17 = arith.constant 2 : i32
    %eq3A = arith.constant 0 : i32
    %eq3A_18 = arith.cmpi eq, %jit3A_17, %eq3A : i32
    %jit3A_19 = arith.constant 1 : i32
    %select_n3A_20 = arith.select %eq3A_18, %jit3A_19, %jit3A_17 : i32
    %rem3A_21 = arith.remsi %add3A, %select_n3A_20 : i32
    %ne3A_22 = arith.constant 0 : i32
    %ne3A_23 = arith.cmpi ne, %rem3A_21, %ne3A_22 : i32
    %lt3A = arith.constant 0 : i32
    %lt3A_24 = arith.cmpi slt, %rem3A_21, %lt3A : i32
    %lt3A_25 = arith.constant 0 : i32
    %lt3A_26 = arith.cmpi slt, %select_n3A_20, %lt3A_25 : i32
    %ne3A_27 = arith.xori %lt3A_24, %lt3A_26 : i1
    %and3A_28 = arith.andi %ne3A_27, %ne3A_23 : i1
    %add3A_29 = arith.addi %rem3A_21, %select_n3A_20 : i32
    %select_n3A_30 = arith.select %and3A_28, %add3A_29, %rem3A_21 : i32
    %mul3A_31 = arith.constant 2048 : i32
    %mul3A_32 = arith.muli %select_n3A_30, %mul3A_31 : i32
    %mul3A_33 = arith.constant 4096 : i32
    %mul3A_34 = arith.muli %select_n3A, %mul3A_33 : i32
    %add3A_35 = arith.addi %mul3A_34, %mul3A_32 : i32
    %multiple_of3A = tpu.assume_multiple %add3A_35, 2048 : i32
    %iota3A = tpu.iota {dimensions = array<i32: 0>} : vector<16xi32>
    %broadcast_in_dim3A = arith.constant 1.000000e+00 : f32
    %broadcast_in_dim3A_36 = vector.broadcast %broadcast_in_dim3A : f32 to vector<16xf32>
    %broadcast_in_dim3A_37 = arith.constant 0.000000e+00 : f32
    %broadcast_in_dim3A_38 = vector.broadcast %broadcast_in_dim3A_37 : f32 to vector<16xf32>
    %ne3A_39 = arith.constant 0 : i32
    %ne3A_40 = arith.cmpi ne, %select_n3A, %ne3A_39 : i32
    %convert_element_type3A = arith.extui %ne3A_40 : i1 to i32
    %cond3A = arith.constant 0 : i32
    %cond3A_41 = arith.cmpi ne, %convert_element_type3A, %cond3A : i32
    scf.if %cond3A_41 {
      %parallel_loop3A = arith.constant 0 : i32
      %parallel_loop3A_47 = arith.constant 2048 : i32
      %parallel_loop3A_48 = arith.constant 128 : i32
      scf.for %parallel_loop3A_49 = %parallel_loop3A to %parallel_loop3A_47 step %parallel_loop3A_48  : i32 {
        %parallel_loop3A_50 = tpu.assume_multiple %parallel_loop3A_49, 128 : i32
        %parallel_loop3A_51 = arith.constant 0 : i32
        %parallel_loop3A_52 = arith.addi %parallel_loop3A_50, %parallel_loop3A_51 : i32
        %parallel_loop3A_53 = arith.index_cast %parallel_loop3A_52 : i32 to index
        %parallel_loop3A_54 = tpu.vector_load %arg8[%parallel_loop3A_53] {strides = array<i32>} : memref<2048xf32, #tpu.memory_space<vmem>>, vector<16xf32>,
        %parallel_loop3A_55 = vector.shape_cast %parallel_loop3A_54 : vector<16xf32> to vector<16xf32>
        %parallel_loop3A_56 = vector.shape_cast %broadcast_in_dim3A_38 : vector<16xf32> to vector<16xf32>
        tpu.vector_store %arg8[%parallel_loop3A_53], %parallel_loop3A_56 {strides = array<i32>} : memref<2048xf32, #tpu.memory_space<vmem>>, vector<16xf32>,
        %parallel_loop3A_57 = arith.constant 16 : i32
        %parallel_loop3A_58 = arith.addi %parallel_loop3A_50, %parallel_loop3A_57 : i32
        %parallel_loop3A_59 = arith.index_cast %parallel_loop3A_58 : i32 to index
        %parallel_loop3A_60 = tpu.vector_load %arg8[%parallel_loop3A_59] {strides = array<i32>} : memref<2048xf32, #tpu.memory_space<vmem>>, vector<16xf32>,
        %parallel_loop3A_61 = vector.shape_cast %parallel_loop3A_60 : vector<16xf32> to vector<16xf32>
        %parallel_loop3A_62 = vector.shape_cast %broadcast_in_dim3A_38 : vector<16xf32> to vector<16xf32>
        tpu.vector_store %arg8[%parallel_loop3A_59], %parallel_loop3A_62 {strides = array<i32>} : memref<2048xf32, #tpu.memory_space<vmem>>, vector<16xf32>,
        %parallel_loop3A_63 = arith.constant 32 : i32
        %parallel_loop3A_64 = arith.addi %parallel_loop3A_50, %parallel_loop3A_63 : i32
        %parallel_loop3A_65 = arith.index_cast %parallel_loop3A_64 : i32 to index
        %parallel_loop3A_66 = tpu.vector_load %arg8[%parallel_loop3A_65] {strides = array<i32>} : memref<2048xf32, #tpu.memory_space<vmem>>, vector<16xf32>,
        %parallel_loop3A_67 = vector.shape_cast %parallel_loop3A_66 : vector<16xf32> to vector<16xf32>
        %parallel_loop3A_68 = vector.shape_cast %broadcast_in_dim3A_38 : vector<16xf32> to vector<16xf32>
        tpu.vector_store %arg8[%parallel_loop3A_65], %parallel_loop3A_68 {strides = array<i32>} : memref<2048xf32, #tpu.memory_space<vmem>>, vector<16xf32>,
        %parallel_loop3A_69 = arith.constant 48 : i32
        %parallel_loop3A_70 = arith.addi %parallel_loop3A_50, %parallel_loop3A_69 : i32
        %parallel_loop3A_71 = arith.index_cast %parallel_loop3A_70 : i32 to index
        %parallel_loop3A_72 = tpu.vector_load %arg8[%parallel_loop3A_71] {strides = array<i32>} : memref<2048xf32, #tpu.memory_space<vmem>>, vector<16xf32>,
        %parallel_loop3A_73 = vector.shape_cast %parallel_loop3A_72 : vector<16xf32> to vector<16xf32>
        %parallel_loop3A_74 = vector.shape_cast %broadcast_in_dim3A_38 : vector<16xf32> to vector<16xf32>
        tpu.vector_store %arg8[%parallel_loop3A_71], %parallel_loop3A_74 {strides = array<i32>} : memref<2048xf32, #tpu.memory_space<vmem>>, vector<16xf32>,
        %parallel_loop3A_75 = arith.constant 64 : i32
        %parallel_loop3A_76 = arith.addi %parallel_loop3A_50, %parallel_loop3A_75 : i32
        %parallel_loop3A_77 = arith.index_cast %parallel_loop3A_76 : i32 to index
        %parallel_loop3A_78 = tpu.vector_load %arg8[%parallel_loop3A_77] {strides = array<i32>} : memref<2048xf32, #tpu.memory_space<vmem>>, vector<16xf32>,
        %parallel_loop3A_79 = vector.shape_cast %parallel_loop3A_78 : vector<16xf32> to vector<16xf32>
        %parallel_loop3A_80 = vector.shape_cast %broadcast_in_dim3A_38 : vector<16xf32> to vector<16xf32>
        tpu.vector_store %arg8[%parallel_loop3A_77], %parallel_loop3A_80 {strides = array<i32>} : memref<2048xf32, #tpu.memory_space<vmem>>, vector<16xf32>,
        %parallel_loop3A_81 = arith.constant 80 : i32
        %parallel_loop3A_82 = arith.addi %parallel_loop3A_50, %parallel_loop3A_81 : i32
        %parallel_loop3A_83 = arith.index_cast %parallel_loop3A_82 : i32 to index
        %parallel_loop3A_84 = tpu.vector_load %arg8[%parallel_loop3A_83] {strides = array<i32>} : memref<2048xf32, #tpu.memory_space<vmem>>, vector<16xf32>,
        %parallel_loop3A_85 = vector.shape_cast %parallel_loop3A_84 : vector<16xf32> to vector<16xf32>
        %parallel_loop3A_86 = vector.shape_cast %broadcast_in_dim3A_38 : vector<16xf32> to vector<16xf32>
        tpu.vector_store %arg8[%parallel_loop3A_83], %parallel_loop3A_86 {strides = array<i32>} : memref<2048xf32, #tpu.memory_space<vmem>>, vector<16xf32>,
        %parallel_loop3A_87 = arith.constant 96 : i32
        %parallel_loop3A_88 = arith.addi %parallel_loop3A_50, %parallel_loop3A_87 : i32
        %parallel_loop3A_89 = arith.index_cast %parallel_loop3A_88 : i32 to index
        %parallel_loop3A_90 = tpu.vector_load %arg8[%parallel_loop3A_89] {strides = array<i32>} : memref<2048xf32, #tpu.memory_space<vmem>>, vector<16xf32>,
        %parallel_loop3A_91 = vector.shape_cast %parallel_loop3A_90 : vector<16xf32> to vector<16xf32>
        %parallel_loop3A_92 = vector.shape_cast %broadcast_in_dim3A_38 : vector<16xf32> to vector<16xf32>
        tpu.vector_store %arg8[%parallel_loop3A_89], %parallel_loop3A_92 {strides = array<i32>} : memref<2048xf32, #tpu.memory_space<vmem>>, vector<16xf32>,
        %parallel_loop3A_93 = arith.constant 112 : i32
        %parallel_loop3A_94 = arith.addi %parallel_loop3A_50, %parallel_loop3A_93 : i32
        %parallel_loop3A_95 = arith.index_cast %parallel_loop3A_94 : i32 to index
        %parallel_loop3A_96 = tpu.vector_load %arg8[%parallel_loop3A_95] {strides = array<i32>} : memref<2048xf32, #tpu.memory_space<vmem>>, vector<16xf32>,
        %parallel_loop3A_97 = vector.shape_cast %parallel_loop3A_96 : vector<16xf32> to vector<16xf32>
        %parallel_loop3A_98 = vector.shape_cast %broadcast_in_dim3A_38 : vector<16xf32> to vector<16xf32>
        tpu.vector_store %arg8[%parallel_loop3A_95], %parallel_loop3A_98 {strides = array<i32>} : memref<2048xf32, #tpu.memory_space<vmem>>, vector<16xf32>,
      } {sc.loop_unroll_factor = 2 : i64, sc.parallel_access}
      "tpu.region"() ({
        %run_scoped3A = tpu.sem_alloc : memref<!tpu.dma_semaphore, #tpu.memory_space<semaphore_mem>>
        %dma_start3A = tpu.memref_slice %arg4[%multiple_of3A] : memref<65536xf32, #tpu.memory_space<hbm>> -> memref<2048xf32, #tpu.memory_space<hbm>>
        %dma_start3A_49 = tpu.memref_slice %arg4[%multiple_of3A] : memref<65536xf32, #tpu.memory_space<hbm>> -> memref<2048xf32, #tpu.memory_space<hbm>>
        tpu.enqueue_dma source(%arg8 : memref<2048xf32, #tpu.memory_space<vmem>>) target(%dma_start3A_49 : memref<2048xf32, #tpu.memory_space<hbm>>) target_semaphore(%run_scoped3A : memref<!tpu.dma_semaphore, #tpu.memory_space<semaphore_mem>>)
        %dma_wait3A = tpu.memref_slice %arg4[%multiple_of3A] : memref<65536xf32, #tpu.memory_space<hbm>> -> memref<2048xf32, #tpu.memory_space<hbm>>
        %dma_wait3A_50 = tpu.memref_slice %arg4[%multiple_of3A] : memref<65536xf32, #tpu.memory_space<hbm>> -> memref<2048xf32, #tpu.memory_space<hbm>>
        tpu.wait_dma2 semaphore(%run_scoped3A : memref<!tpu.dma_semaphore, #tpu.memory_space<semaphore_mem>>) src(%arg8 : memref<2048xf32, #tpu.memory_space<vmem>>) dst(%dma_wait3A_50 : memref<2048xf32, #tpu.memory_space<hbm>>)
        tpu.yield
      }) : () -> ()
    } else {
    }
    %eq3A_42 = arith.constant 0 : i32
    %eq3A_43 = arith.cmpi eq, %select_n3A, %eq3A_42 : i32
    %convert_element_type3A_44 = arith.extui %eq3A_43 : i1 to i32
    %cond3A_45 = arith.constant 0 : i32
    %cond3A_46 = arith.cmpi ne, %convert_element_type3A_44, %cond3A_45 : i32
    scf.if %cond3A_46 {
      tpu.enqueue_dma source(%arg3 : memref<7x16xf32, #tpu.memory_space<hbm>>) target(%arg7 : memref<7x16xf32, #tpu.memory_space<vmem>>) target_semaphore(%arg10 : memref<!tpu.dma_semaphore, #tpu.memory_space<semaphore_mem>>)
      %dma_start3A = arith.constant 0 : i32
      %dma_start3A_47 = tpu.memref_slice %arg6[%dma_start3A] : memref<4096xf32, #tpu.memory_space<vmem>> -> memref<2048xf32, #tpu.memory_space<vmem>>
      %dma_start3A_48 = arith.constant 0 : i32
      %dma_start3A_49 = tpu.memref_slice %arg2[%dma_start3A_48] : memref<4096xf32, #tpu.memory_space<hbm>> -> memref<2048xf32, #tpu.memory_space<hbm>>
      %dma_start3A_50 = arith.constant 0 : i32
      %dma_start3A_51 = tpu.memref_slice %arg6[%dma_start3A_50] : memref<4096xf32, #tpu.memory_space<vmem>> -> memref<2048xf32, #tpu.memory_space<vmem>>
      %dma_start3A_52 = arith.constant 0 : i32
      %dma_start3A_53 = tpu.memref_slice %arg2[%dma_start3A_52] : memref<4096xf32, #tpu.memory_space<hbm>> -> memref<2048xf32, #tpu.memory_space<hbm>>
      tpu.enqueue_dma source(%dma_start3A_53 : memref<2048xf32, #tpu.memory_space<hbm>>) target(%dma_start3A_51 : memref<2048xf32, #tpu.memory_space<vmem>>) target_semaphore(%arg11 : memref<!tpu.dma_semaphore, #tpu.memory_space<semaphore_mem>>)
      %dma_start3A_54 = arith.constant 2048 : i32
      %dma_start3A_55 = tpu.memref_slice %arg6[%dma_start3A_54] : memref<4096xf32, #tpu.memory_space<vmem>> -> memref<2048xf32, #tpu.memory_space<vmem>>
      %dma_start3A_56 = arith.constant 2048 : i32
      %dma_start3A_57 = tpu.memref_slice %arg2[%dma_start3A_56] : memref<4096xf32, #tpu.memory_space<hbm>> -> memref<2048xf32, #tpu.memory_space<hbm>>
      %dma_start3A_58 = arith.constant 2048 : i32
      %dma_start3A_59 = tpu.memref_slice %arg6[%dma_start3A_58] : memref<4096xf32, #tpu.memory_space<vmem>> -> memref<2048xf32, #tpu.memory_space<vmem>>
      %dma_start3A_60 = arith.constant 2048 : i32
      %dma_start3A_61 = tpu.memref_slice %arg2[%dma_start3A_60] : memref<4096xf32, #tpu.memory_space<hbm>> -> memref<2048xf32, #tpu.memory_space<hbm>>
      tpu.enqueue_dma source(%dma_start3A_61 : memref<2048xf32, #tpu.memory_space<hbm>>) target(%dma_start3A_59 : memref<2048xf32, #tpu.memory_space<vmem>>) target_semaphore(%arg12 : memref<!tpu.dma_semaphore, #tpu.memory_space<semaphore_mem>>)
      tpu.wait_dma2 semaphore(%arg10 : memref<!tpu.dma_semaphore, #tpu.memory_space<semaphore_mem>>) src(%arg3 : memref<7x16xf32, #tpu.memory_space<hbm>>) dst(%arg7 : memref<7x16xf32, #tpu.memory_space<vmem>>)
      %get3A = arith.constant 0 : i32
      %get3A_62 = arith.index_cast %get3A : i32 to index
      %get3A_63 = arith.constant 0 : index
      %get3A_64 = tpu.vector_load %arg7[%get3A_62, %get3A_63] {strides = array<i32>} : memref<7x16xf32, #tpu.memory_space<vmem>>, vector<1x16xf32>,
      %get3A_65 = vector.shape_cast %get3A_64 : vector<1x16xf32> to vector<16xf32>
      %get3A_66 = arith.constant 1 : i32
      %get3A_67 = arith.index_cast %get3A_66 : i32 to index
      %get3A_68 = arith.constant 0 : index
      %get3A_69 = tpu.vector_load %arg7[%get3A_67, %get3A_68] {strides = array<i32>} : memref<7x16xf32, #tpu.memory_space<vmem>>, vector<1x16xf32>,
      %get3A_70 = vector.shape_cast %get3A_69 : vector<1x16xf32> to vector<16xf32>
      %get3A_71 = arith.constant 2 : i32
      %get3A_72 = arith.index_cast %get3A_71 : i32 to index
      %get3A_73 = arith.constant 0 : index
      %get3A_74 = tpu.vector_load %arg7[%get3A_72, %get3A_73] {strides = array<i32>} : memref<7x16xf32, #tpu.memory_space<vmem>>, vector<1x16xf32>,
      %get3A_75 = vector.shape_cast %get3A_74 : vector<1x16xf32> to vector<16xf32>
      %get3A_76 = arith.constant 3 : i32
      %get3A_77 = arith.index_cast %get3A_76 : i32 to index
      %get3A_78 = arith.constant 0 : index
      %get3A_79 = tpu.vector_load %arg7[%get3A_77, %get3A_78] {strides = array<i32>} : memref<7x16xf32, #tpu.memory_space<vmem>>, vector<1x16xf32>,
      %get3A_80 = vector.shape_cast %get3A_79 : vector<1x16xf32> to vector<16xf32>
      %get3A_81 = arith.constant 4 : i32
      %get3A_82 = arith.index_cast %get3A_81 : i32 to index
      %get3A_83 = arith.constant 0 : index
      %get3A_84 = tpu.vector_load %arg7[%get3A_82, %get3A_83] {strides = array<i32>} : memref<7x16xf32, #tpu.memory_space<vmem>>, vector<1x16xf32>,
      %get3A_85 = vector.shape_cast %get3A_84 : vector<1x16xf32> to vector<16xf32>
      %get3A_86 = arith.constant 5 : i32
      %get3A_87 = arith.index_cast %get3A_86 : i32 to index
      %get3A_88 = arith.constant 0 : index
      %get3A_89 = tpu.vector_load %arg7[%get3A_87, %get3A_88] {strides = array<i32>} : memref<7x16xf32, #tpu.memory_space<vmem>>, vector<1x16xf32>,
      %get3A_90 = vector.shape_cast %get3A_89 : vector<1x16xf32> to vector<16xf32>
      %get3A_91 = arith.constant 6 : i32
      %get3A_92 = arith.index_cast %get3A_91 : i32 to index
      %get3A_93 = arith.constant 0 : index
      %get3A_94 = tpu.vector_load %arg7[%get3A_92, %get3A_93] {strides = array<i32>} : memref<7x16xf32, #tpu.memory_space<vmem>>, vector<1x16xf32>,
      %get3A_95 = vector.shape_cast %get3A_94 : vector<1x16xf32> to vector<16xf32>
      %eq3A_96 = arith.constant 0 : i32
      %eq3A_97 = vector.broadcast %eq3A_96 : i32 to vector<16xi32>
      %eq3A_98 = arith.cmpi eq, %iota3A, %eq3A_97 : vector<16xi32>
      %jit3A_99 = arith.constant 0.000000e+00 : f32
      %broadcast_in_dim3A_100 = vector.broadcast %jit3A_99 : f32 to vector<16xf32>
      %select_n3A_101 = arith.select %eq3A_98, %broadcast_in_dim3A_36, %broadcast_in_dim3A_100 : vector<16xi1>, vector<16xf32>
      %eq3A_102 = arith.constant 1 : i32
      %eq3A_103 = vector.broadcast %eq3A_102 : i32 to vector<16xi32>
      %eq3A_104 = arith.cmpi eq, %iota3A, %eq3A_103 : vector<16xi32>
      %jit3A_105 = arith.constant 0.000000e+00 : f32
      %broadcast_in_dim3A_106 = vector.broadcast %jit3A_105 : f32 to vector<16xf32>
      %select_n3A_107 = arith.select %eq3A_104, %broadcast_in_dim3A_36, %broadcast_in_dim3A_106 : vector<16xi1>, vector<16xf32>
      %eq3A_108 = arith.constant 2 : i32
      %eq3A_109 = vector.broadcast %eq3A_108 : i32 to vector<16xi32>
      %eq3A_110 = arith.cmpi eq, %iota3A, %eq3A_109 : vector<16xi32>
      %jit3A_111 = arith.constant 0.000000e+00 : f32
      %broadcast_in_dim3A_112 = vector.broadcast %jit3A_111 : f32 to vector<16xf32>
      %select_n3A_113 = arith.select %eq3A_110, %broadcast_in_dim3A_36, %broadcast_in_dim3A_112 : vector<16xi1>, vector<16xf32>
      %mul3A_114 = arith.constant 0.899999976 : f32
      %mul3A_115 = vector.broadcast %mul3A_114 : f32 to vector<16xf32>
      %mul3A_116 = arith.mulf %get3A_75, %mul3A_115 : vector<16xf32>
      %mul3A_117 = arith.constant 0.699999988 : f32
      %mul3A_118 = vector.broadcast %mul3A_117 : f32 to vector<16xf32>
      %mul3A_119 = arith.mulf %mul3A_118, %get3A_80 : vector<16xf32>
      %jit3A_120 = arith.constant 0.000000e+00 : f32
      %jit3A_121 = arith.constant 1.000000e+00 : f32
      %max3A = vector.broadcast %jit3A_120 : f32 to vector<16xf32>
      %max3A_122 = arith.maximumf %max3A, %get3A_65 : vector<16xf32>
      %min3A = vector.broadcast %jit3A_121 : f32 to vector<16xf32>
      %min3A_123 = arith.minimumf %min3A, %max3A_122 : vector<16xf32>
      %mul3A_124 = arith.constant 3.000000e-01 : f32
      %mul3A_125 = vector.broadcast %mul3A_124 : f32 to vector<16xf32>
      %mul3A_126 = arith.mulf %mul3A_125, %min3A_123 : vector<16xf32>
      %add3A_127 = arith.addf %mul3A_119, %mul3A_126 : vector<16xf32>
      %broadcast_in_dim3A_128 = arith.constant 0 : i32
      %broadcast_in_dim3A_129 = vector.broadcast %broadcast_in_dim3A_128 : i32 to vector<16xi32>
      %broadcast_in_dim3A_130 = vector.shape_cast %broadcast_in_dim3A_129 : vector<16xi32> to vector<16x1xi32>
      %gather3A = vector.shape_cast %broadcast_in_dim3A_130 : vector<16x1xi32> to vector<16xi32>
      %gather3A_131 = tpu.dynamic_gather %add3A_127[%gather3A] in [0] : vector<16xf32>, vector<16xi32> -> vector<16xf32>
      %broadcast_in_dim3A_132 = arith.constant 0 : i32
      %broadcast_in_dim3A_133 = vector.broadcast %broadcast_in_dim3A_132 : i32 to vector<16xi32>
      %broadcast_in_dim3A_134 = vector.shape_cast %broadcast_in_dim3A_133 : vector<16xi32> to vector<16x1xi32>
      %gather3A_135 = vector.shape_cast %broadcast_in_dim3A_134 : vector<16x1xi32> to vector<16xi32>
      %gather3A_136 = tpu.dynamic_gather %get3A_85[%gather3A_135] in [0] : vector<16xf32>, vector<16xi32> -> vector<16xf32>
      %gt3A = arith.cmpf ogt, %gather3A_131, %gather3A_136 : vector<16xf32>
      %jit3A_137 = arith.constant 0.000000e+00 : f32
      %broadcast_in_dim3A_138 = vector.broadcast %jit3A_137 : f32 to vector<16xf32>
      %select_n3A_139 = arith.select %gt3A, %broadcast_in_dim3A_36, %broadcast_in_dim3A_138 : vector<16xi1>, vector<16xf32>
      %dma_wait3A = arith.constant 0 : i32
      %dma_wait3A_140 = tpu.memref_slice %arg6[%dma_wait3A] : memref<4096xf32, #tpu.memory_space<vmem>> -> memref<2048xf32, #tpu.memory_space<vmem>>
      %dma_wait3A_141 = arith.constant 0 : i32
      %dma_wait3A_142 = tpu.memref_slice %arg2[%dma_wait3A_141] : memref<4096xf32, #tpu.memory_space<hbm>> -> memref<2048xf32, #tpu.memory_space<hbm>>
      %dma_wait3A_143 = arith.constant 0 : i32
      %dma_wait3A_144 = tpu.memref_slice %arg6[%dma_wait3A_143] : memref<4096xf32, #tpu.memory_space<vmem>> -> memref<2048xf32, #tpu.memory_space<vmem>>
      %dma_wait3A_145 = arith.constant 0 : i32
      %dma_wait3A_146 = tpu.memref_slice %arg2[%dma_wait3A_145] : memref<4096xf32, #tpu.memory_space<hbm>> -> memref<2048xf32, #tpu.memory_space<hbm>>
      tpu.wait_dma2 semaphore(%arg11 : memref<!tpu.dma_semaphore, #tpu.memory_space<semaphore_mem>>) src(%dma_wait3A_146 : memref<2048xf32, #tpu.memory_space<hbm>>) dst(%dma_wait3A_144 : memref<2048xf32, #tpu.memory_space<vmem>>)
      %scan3A = arith.constant 0 : i32
      %scan3A_147 = arith.constant 16 : i32
      %scan3A_148 = arith.addi %scan3A, %scan3A_147 : i32
      %scan3A_149 = arith.constant 1 : i32
      %scan3A_150:8 = scf.for %scan3A_402 = %scan3A to %scan3A_148 step %scan3A_149 iter_args(%scan3A_403 = %broadcast_in_dim3A_38, %scan3A_404 = %broadcast_in_dim3A_38, %scan3A_405 = %broadcast_in_dim3A_38, %scan3A_406 = %broadcast_in_dim3A_38, %scan3A_407 = %broadcast_in_dim3A_38, %scan3A_408 = %broadcast_in_dim3A_38, %scan3A_409 = %broadcast_in_dim3A_38, %scan3A_410 = %broadcast_in_dim3A_38) -> (vector<16xf32>, vector<16xf32>, vector<16xf32>, vector<16xf32>, vector<16xf32>, vector<16xf32>, vector<16xf32>, vector<16xf32>)  : i32 {
        %mul3A_411 = arith.constant 128 : i32
        %mul3A_412 = arith.muli %scan3A_402, %mul3A_411 : i32
        %multiple_of3A_413 = tpu.assume_multiple %mul3A_412, 128 : i32
        %add3A_414 = arith.constant 0 : i32
        %add3A_415 = arith.addi %multiple_of3A_413, %add3A_414 : i32
        %get3A_416 = arith.index_cast %add3A_415 : i32 to index
        %get3A_417 = tpu.vector_load %arg6[%get3A_416] {strides = array<i32>} : memref<4096xf32, #tpu.memory_space<vmem>>, vector<16xf32>,
        %get3A_418 = vector.shape_cast %get3A_417 : vector<16xf32> to vector<16xf32>
        %mul3A_419 = arith.mulf %get3A_418, %get3A_418 : vector<16xf32>
        %add3A_420 = arith.addf %scan3A_403, %mul3A_419 : vector<16xf32>
        %add3A_421 = arith.constant 16 : i32
        %add3A_422 = arith.addi %multiple_of3A_413, %add3A_421 : i32
        %get3A_423 = arith.index_cast %add3A_422 : i32 to index
        %get3A_424 = tpu.vector_load %arg6[%get3A_423] {strides = array<i32>} : memref<4096xf32, #tpu.memory_space<vmem>>, vector<16xf32>,
        %get3A_425 = vector.shape_cast %get3A_424 : vector<16xf32> to vector<16xf32>
        %mul3A_426 = arith.mulf %get3A_425, %get3A_425 : vector<16xf32>
        %add3A_427 = arith.addf %scan3A_404, %mul3A_426 : vector<16xf32>
        %add3A_428 = arith.constant 32 : i32
        %add3A_429 = arith.addi %multiple_of3A_413, %add3A_428 : i32
        %get3A_430 = arith.index_cast %add3A_429 : i32 to index
        %get3A_431 = tpu.vector_load %arg6[%get3A_430] {strides = array<i32>} : memref<4096xf32, #tpu.memory_space<vmem>>, vector<16xf32>,
        %get3A_432 = vector.shape_cast %get3A_431 : vector<16xf32> to vector<16xf32>
        %mul3A_433 = arith.mulf %get3A_432, %get3A_432 : vector<16xf32>
        %add3A_434 = arith.addf %scan3A_405, %mul3A_433 : vector<16xf32>
        %add3A_435 = arith.constant 48 : i32
        %add3A_436 = arith.addi %multiple_of3A_413, %add3A_435 : i32
        %get3A_437 = arith.index_cast %add3A_436 : i32 to index
        %get3A_438 = tpu.vector_load %arg6[%get3A_437] {strides = array<i32>} : memref<4096xf32, #tpu.memory_space<vmem>>, vector<16xf32>,
        %get3A_439 = vector.shape_cast %get3A_438 : vector<16xf32> to vector<16xf32>
        %mul3A_440 = arith.mulf %get3A_439, %get3A_439 : vector<16xf32>
        %add3A_441 = arith.addf %scan3A_406, %mul3A_440 : vector<16xf32>
        %add3A_442 = arith.constant 64 : i32
        %add3A_443 = arith.addi %multiple_of3A_413, %add3A_442 : i32
        %get3A_444 = arith.index_cast %add3A_443 : i32 to index
        %get3A_445 = tpu.vector_load %arg6[%get3A_444] {strides = array<i32>} : memref<4096xf32, #tpu.memory_space<vmem>>, vector<16xf32>,
        %get3A_446 = vector.shape_cast %get3A_445 : vector<16xf32> to vector<16xf32>
        %mul3A_447 = arith.mulf %get3A_446, %get3A_446 : vector<16xf32>
        %add3A_448 = arith.addf %scan3A_407, %mul3A_447 : vector<16xf32>
        %add3A_449 = arith.constant 80 : i32
        %add3A_450 = arith.addi %multiple_of3A_413, %add3A_449 : i32
        %get3A_451 = arith.index_cast %add3A_450 : i32 to index
        %get3A_452 = tpu.vector_load %arg6[%get3A_451] {strides = array<i32>} : memref<4096xf32, #tpu.memory_space<vmem>>, vector<16xf32>,
        %get3A_453 = vector.shape_cast %get3A_452 : vector<16xf32> to vector<16xf32>
        %mul3A_454 = arith.mulf %get3A_453, %get3A_453 : vector<16xf32>
        %add3A_455 = arith.addf %scan3A_408, %mul3A_454 : vector<16xf32>
        %add3A_456 = arith.constant 96 : i32
        %add3A_457 = arith.addi %multiple_of3A_413, %add3A_456 : i32
        %get3A_458 = arith.index_cast %add3A_457 : i32 to index
        %get3A_459 = tpu.vector_load %arg6[%get3A_458] {strides = array<i32>} : memref<4096xf32, #tpu.memory_space<vmem>>, vector<16xf32>,
        %get3A_460 = vector.shape_cast %get3A_459 : vector<16xf32> to vector<16xf32>
        %mul3A_461 = arith.mulf %get3A_460, %get3A_460 : vector<16xf32>
        %add3A_462 = arith.addf %scan3A_409, %mul3A_461 : vector<16xf32>
        %add3A_463 = arith.constant 112 : i32
        %add3A_464 = arith.addi %multiple_of3A_413, %add3A_463 : i32
        %get3A_465 = arith.index_cast %add3A_464 : i32 to index
        %get3A_466 = tpu.vector_load %arg6[%get3A_465] {strides = array<i32>} : memref<4096xf32, #tpu.memory_space<vmem>>, vector<16xf32>,
        %get3A_467 = vector.shape_cast %get3A_466 : vector<16xf32> to vector<16xf32>
        %mul3A_468 = arith.mulf %get3A_467, %get3A_467 : vector<16xf32>
        %add3A_469 = arith.addf %scan3A_410, %mul3A_468 : vector<16xf32>
        scf.yield %add3A_420, %add3A_427, %add3A_434, %add3A_441, %add3A_448, %add3A_455, %add3A_462, %add3A_469 : vector<16xf32>, vector<16xf32>, vector<16xf32>, vector<16xf32>, vector<16xf32>, vector<16xf32>, vector<16xf32>, vector<16xf32>
      }
      %scan3A_151 = arith.constant 16 : i32
      %dma_wait3A_152 = arith.constant 2048 : i32
      %dma_wait3A_153 = tpu.memref_slice %arg6[%dma_wait3A_152] : memref<4096xf32, #tpu.memory_space<vmem>> -> memref<2048xf32, #tpu.memory_space<vmem>>
      %dma_wait3A_154 = arith.constant 2048 : i32
      %dma_wait3A_155 = tpu.memref_slice %arg2[%dma_wait3A_154] : memref<4096xf32, #tpu.memory_space<hbm>> -> memref<2048xf32, #tpu.memory_space<hbm>>
      %dma_wait3A_156 = arith.constant 2048 : i32
      %dma_wait3A_157 = tpu.memref_slice %arg6[%dma_wait3A_156] : memref<4096xf32, #tpu.memory_space<vmem>> -> memref<2048xf32, #tpu.memory_space<vmem>>
      %dma_wait3A_158 = arith.constant 2048 : i32
      %dma_wait3A_159 = tpu.memref_slice %arg2[%dma_wait3A_158] : memref<4096xf32, #tpu.memory_space<hbm>> -> memref<2048xf32, #tpu.memory_space<hbm>>
      tpu.wait_dma2 semaphore(%arg12 : memref<!tpu.dma_semaphore, #tpu.memory_space<semaphore_mem>>) src(%dma_wait3A_159 : memref<2048xf32, #tpu.memory_space<hbm>>) dst(%dma_wait3A_157 : memref<2048xf32, #tpu.memory_space<vmem>>)
      %scan3A_160 = arith.constant 16 : i32
      %scan3A_161 = arith.constant 16 : i32
      %scan3A_162 = arith.addi %scan3A_160, %scan3A_161 : i32
      %scan3A_163 = arith.constant 1 : i32
      %scan3A_164:8 = scf.for %scan3A_402 = %scan3A_160 to %scan3A_162 step %scan3A_163 iter_args(%scan3A_403 = %scan3A_150#0, %scan3A_404 = %scan3A_150#1, %scan3A_405 = %scan3A_150#2, %scan3A_406 = %scan3A_150#3, %scan3A_407 = %scan3A_150#4, %scan3A_408 = %scan3A_150#5, %scan3A_409 = %scan3A_150#6, %scan3A_410 = %scan3A_150#7) -> (vector<16xf32>, vector<16xf32>, vector<16xf32>, vector<16xf32>, vector<16xf32>, vector<16xf32>, vector<16xf32>, vector<16xf32>)  : i32 {
        %mul3A_411 = arith.constant 128 : i32
        %mul3A_412 = arith.muli %scan3A_402, %mul3A_411 : i32
        %multiple_of3A_413 = tpu.assume_multiple %mul3A_412, 128 : i32
        %add3A_414 = arith.constant 0 : i32
        %add3A_415 = arith.addi %multiple_of3A_413, %add3A_414 : i32
        %get3A_416 = arith.index_cast %add3A_415 : i32 to index
        %get3A_417 = tpu.vector_load %arg6[%get3A_416] {strides = array<i32>} : memref<4096xf32, #tpu.memory_space<vmem>>, vector<16xf32>,
        %get3A_418 = vector.shape_cast %get3A_417 : vector<16xf32> to vector<16xf32>
        %mul3A_419 = arith.mulf %get3A_418, %get3A_418 : vector<16xf32>
        %add3A_420 = arith.addf %scan3A_403, %mul3A_419 : vector<16xf32>
        %add3A_421 = arith.constant 16 : i32
        %add3A_422 = arith.addi %multiple_of3A_413, %add3A_421 : i32
        %get3A_423 = arith.index_cast %add3A_422 : i32 to index
        %get3A_424 = tpu.vector_load %arg6[%get3A_423] {strides = array<i32>} : memref<4096xf32, #tpu.memory_space<vmem>>, vector<16xf32>,
        %get3A_425 = vector.shape_cast %get3A_424 : vector<16xf32> to vector<16xf32>
        %mul3A_426 = arith.mulf %get3A_425, %get3A_425 : vector<16xf32>
        %add3A_427 = arith.addf %scan3A_404, %mul3A_426 : vector<16xf32>
        %add3A_428 = arith.constant 32 : i32
        %add3A_429 = arith.addi %multiple_of3A_413, %add3A_428 : i32
        %get3A_430 = arith.index_cast %add3A_429 : i32 to index
        %get3A_431 = tpu.vector_load %arg6[%get3A_430] {strides = array<i32>} : memref<4096xf32, #tpu.memory_space<vmem>>, vector<16xf32>,
        %get3A_432 = vector.shape_cast %get3A_431 : vector<16xf32> to vector<16xf32>
        %mul3A_433 = arith.mulf %get3A_432, %get3A_432 : vector<16xf32>
        %add3A_434 = arith.addf %scan3A_405, %mul3A_433 : vector<16xf32>
        %add3A_435 = arith.constant 48 : i32
        %add3A_436 = arith.addi %multiple_of3A_413, %add3A_435 : i32
        %get3A_437 = arith.index_cast %add3A_436 : i32 to index
        %get3A_438 = tpu.vector_load %arg6[%get3A_437] {strides = array<i32>} : memref<4096xf32, #tpu.memory_space<vmem>>, vector<16xf32>,
        %get3A_439 = vector.shape_cast %get3A_438 : vector<16xf32> to vector<16xf32>
        %mul3A_440 = arith.mulf %get3A_439, %get3A_439 : vector<16xf32>
        %add3A_441 = arith.addf %scan3A_406, %mul3A_440 : vector<16xf32>
        %add3A_442 = arith.constant 64 : i32
        %add3A_443 = arith.addi %multiple_of3A_413, %add3A_442 : i32
        %get3A_444 = arith.index_cast %add3A_443 : i32 to index
        %get3A_445 = tpu.vector_load %arg6[%get3A_444] {strides = array<i32>} : memref<4096xf32, #tpu.memory_space<vmem>>, vector<16xf32>,
        %get3A_446 = vector.shape_cast %get3A_445 : vector<16xf32> to vector<16xf32>
        %mul3A_447 = arith.mulf %get3A_446, %get3A_446 : vector<16xf32>
        %add3A_448 = arith.addf %scan3A_407, %mul3A_447 : vector<16xf32>
        %add3A_449 = arith.constant 80 : i32
        %add3A_450 = arith.addi %multiple_of3A_413, %add3A_449 : i32
        %get3A_451 = arith.index_cast %add3A_450 : i32 to index
        %get3A_452 = tpu.vector_load %arg6[%get3A_451] {strides = array<i32>} : memref<4096xf32, #tpu.memory_space<vmem>>, vector<16xf32>,
        %get3A_453 = vector.shape_cast %get3A_452 : vector<16xf32> to vector<16xf32>
        %mul3A_454 = arith.mulf %get3A_453, %get3A_453 : vector<16xf32>
        %add3A_455 = arith.addf %scan3A_408, %mul3A_454 : vector<16xf32>
        %add3A_456 = arith.constant 96 : i32
        %add3A_457 = arith.addi %multiple_of3A_413, %add3A_456 : i32
        %get3A_458 = arith.index_cast %add3A_457 : i32 to index
        %get3A_459 = tpu.vector_load %arg6[%get3A_458] {strides = array<i32>} : memref<4096xf32, #tpu.memory_space<vmem>>, vector<16xf32>,
        %get3A_460 = vector.shape_cast %get3A_459 : vector<16xf32> to vector<16xf32>
        %mul3A_461 = arith.mulf %get3A_460, %get3A_460 : vector<16xf32>
        %add3A_462 = arith.addf %scan3A_409, %mul3A_461 : vector<16xf32>
        %add3A_463 = arith.constant 112 : i32
        %add3A_464 = arith.addi %multiple_of3A_413, %add3A_463 : i32
        %get3A_465 = arith.index_cast %add3A_464 : i32 to index
        %get3A_466 = tpu.vector_load %arg6[%get3A_465] {strides = array<i32>} : memref<4096xf32, #tpu.memory_space<vmem>>, vector<16xf32>,
        %get3A_467 = vector.shape_cast %get3A_466 : vector<16xf32> to vector<16xf32>
        %mul3A_468 = arith.mulf %get3A_467, %get3A_467 : vector<16xf32>
        %add3A_469 = arith.addf %scan3A_410, %mul3A_468 : vector<16xf32>
        scf.yield %add3A_420, %add3A_427, %add3A_434, %add3A_441, %add3A_448, %add3A_455, %add3A_462, %add3A_469 : vector<16xf32>, vector<16xf32>, vector<16xf32>, vector<16xf32>, vector<16xf32>, vector<16xf32>, vector<16xf32>, vector<16xf32>
      }
      %scan3A_165 = arith.constant 16 : i32
      %add3A_166 = arith.addf %scan3A_164#0, %scan3A_164#1 : vector<16xf32>
      %add3A_167 = arith.addf %add3A_166, %scan3A_164#2 : vector<16xf32>
      %add3A_168 = arith.addf %add3A_167, %scan3A_164#3 : vector<16xf32>
      %add3A_169 = arith.addf %add3A_168, %scan3A_164#4 : vector<16xf32>
      %add3A_170 = arith.addf %add3A_169, %scan3A_164#5 : vector<16xf32>
      %add3A_171 = arith.addf %add3A_170, %scan3A_164#6 : vector<16xf32>
      %add3A_172 = arith.addf %add3A_171, %scan3A_164#7 : vector<16xf32>
      %iota3A_173 = tpu.iota {dimensions = array<i32: 0>} : vector<16xi32>
      %xor3A = arith.constant 8 : i32
      %xor3A_174 = vector.broadcast %xor3A : i32 to vector<16xi32>
      %xor3A_175 = arith.xori %iota3A_173, %xor3A_174 : vector<16xi32>
      %broadcast_in_dim3A_176 = vector.shape_cast %xor3A_175 : vector<16xi32> to vector<16x1xi32>
      %gather3A_177 = vector.shape_cast %broadcast_in_dim3A_176 : vector<16x1xi32> to vector<16xi32>
      %gather3A_178 = tpu.dynamic_gather %add3A_172[%gather3A_177] in [0] : vector<16xf32>, vector<16xi32> -> vector<16xf32>
      %add3A_179 = arith.addf %add3A_172, %gather3A_178 : vector<16xf32>
      %xor3A_180 = arith.constant 4 : i32
      %xor3A_181 = vector.broadcast %xor3A_180 : i32 to vector<16xi32>
      %xor3A_182 = arith.xori %iota3A_173, %xor3A_181 : vector<16xi32>
      %broadcast_in_dim3A_183 = vector.shape_cast %xor3A_182 : vector<16xi32> to vector<16x1xi32>
      %gather3A_184 = vector.shape_cast %broadcast_in_dim3A_183 : vector<16x1xi32> to vector<16xi32>
      %gather3A_185 = tpu.dynamic_gather %add3A_179[%gather3A_184] in [0] : vector<16xf32>, vector<16xi32> -> vector<16xf32>
      %add3A_186 = arith.addf %add3A_179, %gather3A_185 : vector<16xf32>
      %xor3A_187 = arith.constant 2 : i32
      %xor3A_188 = vector.broadcast %xor3A_187 : i32 to vector<16xi32>
      %xor3A_189 = arith.xori %iota3A_173, %xor3A_188 : vector<16xi32>
      %broadcast_in_dim3A_190 = vector.shape_cast %xor3A_189 : vector<16xi32> to vector<16x1xi32>
      %gather3A_191 = vector.shape_cast %broadcast_in_dim3A_190 : vector<16x1xi32> to vector<16xi32>
      %gather3A_192 = tpu.dynamic_gather %add3A_186[%gather3A_191] in [0] : vector<16xf32>, vector<16xi32> -> vector<16xf32>
      %add3A_193 = arith.addf %add3A_186, %gather3A_192 : vector<16xf32>
      %xor3A_194 = arith.constant 1 : i32
      %xor3A_195 = vector.broadcast %xor3A_194 : i32 to vector<16xi32>
      %xor3A_196 = arith.xori %iota3A_173, %xor3A_195 : vector<16xi32>
      %broadcast_in_dim3A_197 = vector.shape_cast %xor3A_196 : vector<16xi32> to vector<16x1xi32>
      %gather3A_198 = vector.shape_cast %broadcast_in_dim3A_197 : vector<16x1xi32> to vector<16xi32>
      %gather3A_199 = tpu.dynamic_gather %add3A_193[%gather3A_198] in [0] : vector<16xf32>, vector<16xi32> -> vector<16xf32>
      %add3A_200 = arith.addf %add3A_193, %gather3A_199 : vector<16xf32>
      %max3A_201 = arith.constant 9.99999996E-13 : f32
      %max3A_202 = vector.broadcast %max3A_201 : f32 to vector<16xf32>
      %max3A_203 = arith.maximumf %add3A_200, %max3A_202 : vector<16xf32>
      %bitcast_convert_type3A = tpu.bitcast %max3A_203 : vector<16xf32> -> vector<16xi32>
      %shift_right_logical3A = arith.constant 1 : i32
      %shift_right_logical3A_204 = vector.broadcast %shift_right_logical3A : i32 to vector<16xi32>
      %shift_right_logical3A_205 = arith.shrui %bitcast_convert_type3A, %shift_right_logical3A_204 : vector<16xi32>
      %sub3A_206 = arith.constant 1597463007 : i32
      %sub3A_207 = vector.broadcast %sub3A_206 : i32 to vector<16xi32>
      %sub3A_208 = arith.subi %sub3A_207, %shift_right_logical3A_205 : vector<16xi32>
      %bitcast_convert_type3A_209 = tpu.bitcast %sub3A_208 : vector<16xi32> -> vector<16xf32>
      %mul3A_210 = arith.constant 5.000000e-01 : f32
      %mul3A_211 = vector.broadcast %mul3A_210 : f32 to vector<16xf32>
      %mul3A_212 = arith.mulf %mul3A_211, %max3A_203 : vector<16xf32>
      %mul3A_213 = arith.mulf %mul3A_212, %bitcast_convert_type3A_209 : vector<16xf32>
      %mul3A_214 = arith.mulf %mul3A_213, %bitcast_convert_type3A_209 : vector<16xf32>
      %sub3A_215 = arith.constant 1.500000e+00 : f32
      %sub3A_216 = vector.broadcast %sub3A_215 : f32 to vector<16xf32>
      %sub3A_217 = arith.subf %sub3A_216, %mul3A_214 : vector<16xf32>
      %mul3A_218 = arith.mulf %bitcast_convert_type3A_209, %sub3A_217 : vector<16xf32>
      %mul3A_219 = arith.constant 5.000000e-01 : f32
      %mul3A_220 = vector.broadcast %mul3A_219 : f32 to vector<16xf32>
      %mul3A_221 = arith.mulf %mul3A_220, %max3A_203 : vector<16xf32>
      %mul3A_222 = arith.mulf %mul3A_221, %mul3A_218 : vector<16xf32>
      %mul3A_223 = arith.mulf %mul3A_222, %mul3A_218 : vector<16xf32>
      %sub3A_224 = arith.constant 1.500000e+00 : f32
      %sub3A_225 = vector.broadcast %sub3A_224 : f32 to vector<16xf32>
      %sub3A_226 = arith.subf %sub3A_225, %mul3A_223 : vector<16xf32>
      %mul3A_227 = arith.mulf %mul3A_218, %sub3A_226 : vector<16xf32>
      %mul3A_228 = arith.constant 5.000000e-01 : f32
      %mul3A_229 = vector.broadcast %mul3A_228 : f32 to vector<16xf32>
      %mul3A_230 = arith.mulf %mul3A_229, %max3A_203 : vector<16xf32>
      %mul3A_231 = arith.mulf %mul3A_230, %mul3A_227 : vector<16xf32>
      %mul3A_232 = arith.mulf %mul3A_231, %mul3A_227 : vector<16xf32>
      %sub3A_233 = arith.constant 1.500000e+00 : f32
      %sub3A_234 = vector.broadcast %sub3A_233 : f32 to vector<16xf32>
      %sub3A_235 = arith.subf %sub3A_234, %mul3A_232 : vector<16xf32>
      %mul3A_236 = arith.mulf %mul3A_227, %sub3A_235 : vector<16xf32>
      %mul3A_237 = arith.mulf %max3A_203, %mul3A_236 : vector<16xf32>
      %mul3A_238 = arith.mulf %select_n3A_139, %mul3A_237 : vector<16xf32>
      %sub3A_239 = arith.constant 1.000000e+00 : f32
      %sub3A_240 = vector.broadcast %sub3A_239 : f32 to vector<16xf32>
      %sub3A_241 = arith.subf %sub3A_240, %select_n3A_139 : vector<16xf32>
      %broadcast_in_dim3A_242 = arith.constant 0 : i32
      %broadcast_in_dim3A_243 = vector.broadcast %broadcast_in_dim3A_242 : i32 to vector<16xi32>
      %broadcast_in_dim3A_244 = vector.shape_cast %broadcast_in_dim3A_243 : vector<16xi32> to vector<16x1xi32>
      %gather3A_245 = vector.shape_cast %broadcast_in_dim3A_244 : vector<16x1xi32> to vector<16xi32>
      %gather3A_246 = tpu.dynamic_gather %mul3A_116[%gather3A_245] in [0] : vector<16xf32>, vector<16xi32> -> vector<16xf32>
      %mul3A_247 = arith.mulf %sub3A_241, %gather3A_246 : vector<16xf32>
      %add3A_248 = arith.addf %mul3A_238, %mul3A_247 : vector<16xf32>
      %mul3A_249 = arith.mulf %select_n3A_101, %add3A_248 : vector<16xf32>
      %sub3A_250 = arith.constant 1.000000e+00 : f32
      %sub3A_251 = vector.broadcast %sub3A_250 : f32 to vector<16xf32>
      %sub3A_252 = arith.subf %sub3A_251, %select_n3A_101 : vector<16xf32>
      %mul3A_253 = arith.mulf %sub3A_252, %mul3A_116 : vector<16xf32>
      %add3A_254 = arith.addf %mul3A_249, %mul3A_253 : vector<16xf32>
      %jit3A_255 = arith.constant 0.000000e+00 : f32
      %jit3A_256 = arith.constant 1.000000e+00 : f32
      %max3A_257 = vector.broadcast %jit3A_255 : f32 to vector<16xf32>
      %max3A_258 = arith.maximumf %max3A_257, %get3A_70 : vector<16xf32>
      %min3A_259 = vector.broadcast %jit3A_256 : f32 to vector<16xf32>
      %min3A_260 = arith.minimumf %min3A_259, %max3A_258 : vector<16xf32>
      %gt3A_261 = arith.constant 1.000000e-01 : f32
      %gt3A_262 = vector.broadcast %gt3A_261 : f32 to vector<16xf32>
      %gt3A_263 = arith.cmpf ogt, %min3A_260, %gt3A_262 : vector<16xf32>
      %jit3A_264 = arith.constant 0.000000e+00 : f32
      %broadcast_in_dim3A_265 = vector.broadcast %jit3A_264 : f32 to vector<16xf32>
      %select_n3A_266 = arith.select %gt3A_263, %broadcast_in_dim3A_36, %broadcast_in_dim3A_265 : vector<16xi1>, vector<16xf32>
      %mul3A_267 = arith.mulf %get3A_90, %min3A_260 : vector<16xf32>
      %mul3A_268 = arith.mulf %select_n3A_266, %mul3A_267 : vector<16xf32>
      %add3A_269 = arith.addf %add3A_254, %mul3A_268 : vector<16xf32>
      %add3A_270 = arith.constant 1.000000e+00 : f32
      %add3A_271 = vector.broadcast %add3A_270 : f32 to vector<16xf32>
      %add3A_272 = arith.addf %add3A_271, %mul3A_268 : vector<16xf32>
      %gt3A_273 = arith.constant 1.000000e-01 : f32
      %gt3A_274 = vector.broadcast %gt3A_273 : f32 to vector<16xf32>
      %gt3A_275 = arith.cmpf ogt, %add3A_269, %gt3A_274 : vector<16xf32>
      %jit3A_276 = arith.constant 0.000000e+00 : f32
      %broadcast_in_dim3A_277 = vector.broadcast %jit3A_276 : f32 to vector<16xf32>
      %select_n3A_278 = arith.select %gt3A_275, %broadcast_in_dim3A_36, %broadcast_in_dim3A_277 : vector<16xi1>, vector<16xf32>
      %iota3A_279 = tpu.iota {dimensions = array<i32: 0>} : vector<16xi32>
      %xor3A_280 = arith.constant 8 : i32
      %xor3A_281 = vector.broadcast %xor3A_280 : i32 to vector<16xi32>
      %xor3A_282 = arith.xori %iota3A_279, %xor3A_281 : vector<16xi32>
      %broadcast_in_dim3A_283 = vector.shape_cast %xor3A_282 : vector<16xi32> to vector<16x1xi32>
      %gather3A_284 = vector.shape_cast %broadcast_in_dim3A_283 : vector<16x1xi32> to vector<16xi32>
      %gather3A_285 = tpu.dynamic_gather %select_n3A_278[%gather3A_284] in [0] : vector<16xf32>, vector<16xi32> -> vector<16xf32>
      %add3A_286 = arith.addf %select_n3A_278, %gather3A_285 : vector<16xf32>
      %xor3A_287 = arith.constant 4 : i32
      %xor3A_288 = vector.broadcast %xor3A_287 : i32 to vector<16xi32>
      %xor3A_289 = arith.xori %iota3A_279, %xor3A_288 : vector<16xi32>
      %broadcast_in_dim3A_290 = vector.shape_cast %xor3A_289 : vector<16xi32> to vector<16x1xi32>
      %gather3A_291 = vector.shape_cast %broadcast_in_dim3A_290 : vector<16x1xi32> to vector<16xi32>
      %gather3A_292 = tpu.dynamic_gather %add3A_286[%gather3A_291] in [0] : vector<16xf32>, vector<16xi32> -> vector<16xf32>
      %add3A_293 = arith.addf %add3A_286, %gather3A_292 : vector<16xf32>
      %xor3A_294 = arith.constant 2 : i32
      %xor3A_295 = vector.broadcast %xor3A_294 : i32 to vector<16xi32>
      %xor3A_296 = arith.xori %iota3A_279, %xor3A_295 : vector<16xi32>
      %broadcast_in_dim3A_297 = vector.shape_cast %xor3A_296 : vector<16xi32> to vector<16x1xi32>
      %gather3A_298 = vector.shape_cast %broadcast_in_dim3A_297 : vector<16x1xi32> to vector<16xi32>
      %gather3A_299 = tpu.dynamic_gather %add3A_293[%gather3A_298] in [0] : vector<16xf32>, vector<16xi32> -> vector<16xf32>
      %add3A_300 = arith.addf %add3A_293, %gather3A_299 : vector<16xf32>
      %xor3A_301 = arith.constant 1 : i32
      %xor3A_302 = vector.broadcast %xor3A_301 : i32 to vector<16xi32>
      %xor3A_303 = arith.xori %iota3A_279, %xor3A_302 : vector<16xi32>
      %broadcast_in_dim3A_304 = vector.shape_cast %xor3A_303 : vector<16xi32> to vector<16x1xi32>
      %gather3A_305 = vector.shape_cast %broadcast_in_dim3A_304 : vector<16x1xi32> to vector<16xi32>
      %gather3A_306 = tpu.dynamic_gather %add3A_300[%gather3A_305] in [0] : vector<16xf32>, vector<16xi32> -> vector<16xf32>
      %add3A_307 = arith.addf %add3A_300, %gather3A_306 : vector<16xf32>
      %mul3A_308 = arith.mulf %select_n3A_278, %add3A_269 : vector<16xf32>
      %sub3A_309 = arith.constant 1.000000e+00 : f32
      %sub3A_310 = vector.broadcast %sub3A_309 : f32 to vector<16xf32>
      %sub3A_311 = arith.subf %sub3A_310, %select_n3A_278 : vector<16xf32>
      %mul3A_312 = arith.constant 3.000000e+38 : f32
      %mul3A_313 = vector.broadcast %mul3A_312 : f32 to vector<16xf32>
      %mul3A_314 = arith.mulf %sub3A_311, %mul3A_313 : vector<16xf32>
      %add3A_315 = arith.addf %mul3A_308, %mul3A_314 : vector<16xf32>
      %broadcast_in_dim3A_316 = arith.constant 0 : i32
      %broadcast_in_dim3A_317 = vector.broadcast %broadcast_in_dim3A_316 : i32 to vector<16xi32>
      %broadcast_in_dim3A_318 = vector.shape_cast %broadcast_in_dim3A_317 : vector<16xi32> to vector<16x1xi32>
      %gather3A_319 = vector.shape_cast %broadcast_in_dim3A_318 : vector<16x1xi32> to vector<16xi32>
      %gather3A_320 = tpu.dynamic_gather %add3A_315[%gather3A_319] in [0] : vector<16xf32>, vector<16xi32> -> vector<16xf32>
      %lt3A_321 = arith.cmpf olt, %add3A_315, %gather3A_320 : vector<16xf32>
      %jit3A_322 = arith.constant 0.000000e+00 : f32
      %broadcast_in_dim3A_323 = vector.broadcast %jit3A_322 : f32 to vector<16xf32>
      %select_n3A_324 = arith.select %lt3A_321, %broadcast_in_dim3A_36, %broadcast_in_dim3A_323 : vector<16xi1>, vector<16xf32>
      %iota3A_325 = tpu.iota {dimensions = array<i32: 0>} : vector<16xi32>
      %xor3A_326 = arith.constant 8 : i32
      %xor3A_327 = vector.broadcast %xor3A_326 : i32 to vector<16xi32>
      %xor3A_328 = arith.xori %iota3A_325, %xor3A_327 : vector<16xi32>
      %broadcast_in_dim3A_329 = vector.shape_cast %xor3A_328 : vector<16xi32> to vector<16x1xi32>
      %gather3A_330 = vector.shape_cast %broadcast_in_dim3A_329 : vector<16x1xi32> to vector<16xi32>
      %gather3A_331 = tpu.dynamic_gather %select_n3A_324[%gather3A_330] in [0] : vector<16xf32>, vector<16xi32> -> vector<16xf32>
      %add3A_332 = arith.addf %select_n3A_324, %gather3A_331 : vector<16xf32>
      %xor3A_333 = arith.constant 4 : i32
      %xor3A_334 = vector.broadcast %xor3A_333 : i32 to vector<16xi32>
      %xor3A_335 = arith.xori %iota3A_325, %xor3A_334 : vector<16xi32>
      %broadcast_in_dim3A_336 = vector.shape_cast %xor3A_335 : vector<16xi32> to vector<16x1xi32>
      %gather3A_337 = vector.shape_cast %broadcast_in_dim3A_336 : vector<16x1xi32> to vector<16xi32>
      %gather3A_338 = tpu.dynamic_gather %add3A_332[%gather3A_337] in [0] : vector<16xf32>, vector<16xi32> -> vector<16xf32>
      %add3A_339 = arith.addf %add3A_332, %gather3A_338 : vector<16xf32>
      %xor3A_340 = arith.constant 2 : i32
      %xor3A_341 = vector.broadcast %xor3A_340 : i32 to vector<16xi32>
      %xor3A_342 = arith.xori %iota3A_325, %xor3A_341 : vector<16xi32>
      %broadcast_in_dim3A_343 = vector.shape_cast %xor3A_342 : vector<16xi32> to vector<16x1xi32>
      %gather3A_344 = vector.shape_cast %broadcast_in_dim3A_343 : vector<16x1xi32> to vector<16xi32>
      %gather3A_345 = tpu.dynamic_gather %add3A_339[%gather3A_344] in [0] : vector<16xf32>, vector<16xi32> -> vector<16xf32>
      %add3A_346 = arith.addf %add3A_339, %gather3A_345 : vector<16xf32>
      %xor3A_347 = arith.constant 1 : i32
      %xor3A_348 = vector.broadcast %xor3A_347 : i32 to vector<16xi32>
      %xor3A_349 = arith.xori %iota3A_325, %xor3A_348 : vector<16xi32>
      %broadcast_in_dim3A_350 = vector.shape_cast %xor3A_349 : vector<16xi32> to vector<16x1xi32>
      %gather3A_351 = vector.shape_cast %broadcast_in_dim3A_350 : vector<16x1xi32> to vector<16xi32>
      %gather3A_352 = tpu.dynamic_gather %add3A_346[%gather3A_351] in [0] : vector<16xf32>, vector<16xi32> -> vector<16xf32>
      %add3A_353 = arith.addf %add3A_346, %gather3A_352 : vector<16xf32>
      %broadcast_in_dim3A_354 = arith.constant 0 : i32
      %broadcast_in_dim3A_355 = vector.broadcast %broadcast_in_dim3A_354 : i32 to vector<16xi32>
      %broadcast_in_dim3A_356 = vector.shape_cast %broadcast_in_dim3A_355 : vector<16xi32> to vector<16x1xi32>
      %gather3A_357 = vector.shape_cast %broadcast_in_dim3A_356 : vector<16x1xi32> to vector<16xi32>
      %gather3A_358 = tpu.dynamic_gather %select_n3A_278[%gather3A_357] in [0] : vector<16xf32>, vector<16xi32> -> vector<16xf32>
      %sub3A_359 = arith.constant 4.000000e+00 : f32
      %sub3A_360 = vector.broadcast %sub3A_359 : f32 to vector<16xf32>
      %sub3A_361 = arith.subf %add3A_307, %sub3A_360 : vector<16xf32>
      %lt3A_362 = arith.cmpf olt, %add3A_353, %sub3A_361 : vector<16xf32>
      %jit3A_363 = arith.constant 0.000000e+00 : f32
      %broadcast_in_dim3A_364 = vector.broadcast %jit3A_363 : f32 to vector<16xf32>
      %select_n3A_365 = arith.select %lt3A_362, %broadcast_in_dim3A_36, %broadcast_in_dim3A_364 : vector<16xi1>, vector<16xf32>
      %mul3A_366 = arith.mulf %gather3A_358, %select_n3A_365 : vector<16xf32>
      %gt3A_367 = arith.constant 4.000000e+00 : f32
      %gt3A_368 = vector.broadcast %gt3A_367 : f32 to vector<16xf32>
      %gt3A_369 = arith.cmpf ogt, %add3A_307, %gt3A_368 : vector<16xf32>
      %jit3A_370 = arith.constant 0.000000e+00 : f32
      %broadcast_in_dim3A_371 = vector.broadcast %jit3A_370 : f32 to vector<16xf32>
      %select_n3A_372 = arith.select %gt3A_369, %broadcast_in_dim3A_36, %broadcast_in_dim3A_371 : vector<16xi1>, vector<16xf32>
      %mul3A_373 = arith.mulf %mul3A_366, %select_n3A_372 : vector<16xf32>
      %broadcast_in_dim3A_374 = arith.constant 0 : i32
      %broadcast_in_dim3A_375 = vector.broadcast %broadcast_in_dim3A_374 : i32 to vector<16xi32>
      %broadcast_in_dim3A_376 = vector.shape_cast %broadcast_in_dim3A_375 : vector<16xi32> to vector<16x1xi32>
      %gather3A_377 = vector.shape_cast %broadcast_in_dim3A_376 : vector<16x1xi32> to vector<16xi32>
      %gather3A_378 = tpu.dynamic_gather %add3A_272[%gather3A_377] in [0] : vector<16xf32>, vector<16xi32> -> vector<16xf32>
      %mul3A_379 = arith.constant 3.000000e-01 : f32
      %mul3A_380 = vector.broadcast %mul3A_379 : f32 to vector<16xf32>
      %mul3A_381 = arith.mulf %mul3A_380, %mul3A_373 : vector<16xf32>
      %sub3A_382 = arith.constant 1.000000e+00 : f32
      %sub3A_383 = vector.broadcast %sub3A_382 : f32 to vector<16xf32>
      %sub3A_384 = arith.subf %sub3A_383, %mul3A_381 : vector<16xf32>
      %mul3A_385 = arith.mulf %gather3A_378, %sub3A_384 : vector<16xf32>
      %mul3A_386 = arith.mulf %mul3A_385, %select_n3A_139 : vector<16xf32>
      %mul3A_387 = arith.constant 3.000000e-01 : f32
      %mul3A_388 = vector.broadcast %mul3A_387 : f32 to vector<16xf32>
      %mul3A_389 = arith.mulf %mul3A_388, %gather3A_131 : vector<16xf32>
      %mul3A_390 = arith.mulf %mul3A_386, %mul3A_389 : vector<16xf32>
      %parallel_loop3A = arith.constant 0 : i32
      %parallel_loop3A_391 = arith.constant 2048 : i32
      %parallel_loop3A_392 = arith.constant 128 : i32
      scf.for %parallel_loop3A_402 = %parallel_loop3A to %parallel_loop3A_391 step %parallel_loop3A_392  : i32 {
        %parallel_loop3A_403 = tpu.assume_multiple %parallel_loop3A_402, 128 : i32
        %parallel_loop3A_404 = tpu.assume_multiple %mul3A_32, 2048 : i32
        %parallel_loop3A_405 = arith.addi %parallel_loop3A_404, %parallel_loop3A_403 : i32
        %parallel_loop3A_406 = arith.constant 0 : i32
        %parallel_loop3A_407 = arith.addi %parallel_loop3A_405, %parallel_loop3A_406 : i32
        %parallel_loop3A_408 = arith.index_cast %parallel_loop3A_407 : i32 to index
        %parallel_loop3A_409 = tpu.vector_load %arg6[%parallel_loop3A_408] {strides = array<i32>} : memref<4096xf32, #tpu.memory_space<vmem>>, vector<16xf32>,
        %parallel_loop3A_410 = vector.shape_cast %parallel_loop3A_409 : vector<16xf32> to vector<16xf32>
        %parallel_loop3A_411 = arith.mulf %mul3A_390, %parallel_loop3A_410 : vector<16xf32>
        %parallel_loop3A_412 = arith.constant 0 : i32
        %parallel_loop3A_413 = arith.addi %parallel_loop3A_403, %parallel_loop3A_412 : i32
        %parallel_loop3A_414 = arith.index_cast %parallel_loop3A_413 : i32 to index
        %parallel_loop3A_415 = tpu.vector_load %arg8[%parallel_loop3A_414] {strides = array<i32>} : memref<2048xf32, #tpu.memory_space<vmem>>, vector<16xf32>,
        %parallel_loop3A_416 = vector.shape_cast %parallel_loop3A_415 : vector<16xf32> to vector<16xf32>
        %parallel_loop3A_417 = vector.shape_cast %parallel_loop3A_411 : vector<16xf32> to vector<16xf32>
        tpu.vector_store %arg8[%parallel_loop3A_414], %parallel_loop3A_417 {strides = array<i32>} : memref<2048xf32, #tpu.memory_space<vmem>>, vector<16xf32>,
        %parallel_loop3A_418 = arith.constant 16 : i32
        %parallel_loop3A_419 = arith.addi %parallel_loop3A_405, %parallel_loop3A_418 : i32
        %parallel_loop3A_420 = arith.index_cast %parallel_loop3A_419 : i32 to index
        %parallel_loop3A_421 = tpu.vector_load %arg6[%parallel_loop3A_420] {strides = array<i32>} : memref<4096xf32, #tpu.memory_space<vmem>>, vector<16xf32>,
        %parallel_loop3A_422 = vector.shape_cast %parallel_loop3A_421 : vector<16xf32> to vector<16xf32>
        %parallel_loop3A_423 = arith.mulf %mul3A_390, %parallel_loop3A_422 : vector<16xf32>
        %parallel_loop3A_424 = arith.constant 16 : i32
        %parallel_loop3A_425 = arith.addi %parallel_loop3A_403, %parallel_loop3A_424 : i32
        %parallel_loop3A_426 = arith.index_cast %parallel_loop3A_425 : i32 to index
        %parallel_loop3A_427 = tpu.vector_load %arg8[%parallel_loop3A_426] {strides = array<i32>} : memref<2048xf32, #tpu.memory_space<vmem>>, vector<16xf32>,
        %parallel_loop3A_428 = vector.shape_cast %parallel_loop3A_427 : vector<16xf32> to vector<16xf32>
        %parallel_loop3A_429 = vector.shape_cast %parallel_loop3A_423 : vector<16xf32> to vector<16xf32>
        tpu.vector_store %arg8[%parallel_loop3A_426], %parallel_loop3A_429 {strides = array<i32>} : memref<2048xf32, #tpu.memory_space<vmem>>, vector<16xf32>,
        %parallel_loop3A_430 = arith.constant 32 : i32
        %parallel_loop3A_431 = arith.addi %parallel_loop3A_405, %parallel_loop3A_430 : i32
        %parallel_loop3A_432 = arith.index_cast %parallel_loop3A_431 : i32 to index
        %parallel_loop3A_433 = tpu.vector_load %arg6[%parallel_loop3A_432] {strides = array<i32>} : memref<4096xf32, #tpu.memory_space<vmem>>, vector<16xf32>,
        %parallel_loop3A_434 = vector.shape_cast %parallel_loop3A_433 : vector<16xf32> to vector<16xf32>
        %parallel_loop3A_435 = arith.mulf %mul3A_390, %parallel_loop3A_434 : vector<16xf32>
        %parallel_loop3A_436 = arith.constant 32 : i32
        %parallel_loop3A_437 = arith.addi %parallel_loop3A_403, %parallel_loop3A_436 : i32
        %parallel_loop3A_438 = arith.index_cast %parallel_loop3A_437 : i32 to index
        %parallel_loop3A_439 = tpu.vector_load %arg8[%parallel_loop3A_438] {strides = array<i32>} : memref<2048xf32, #tpu.memory_space<vmem>>, vector<16xf32>,
        %parallel_loop3A_440 = vector.shape_cast %parallel_loop3A_439 : vector<16xf32> to vector<16xf32>
        %parallel_loop3A_441 = vector.shape_cast %parallel_loop3A_435 : vector<16xf32> to vector<16xf32>
        tpu.vector_store %arg8[%parallel_loop3A_438], %parallel_loop3A_441 {strides = array<i32>} : memref<2048xf32, #tpu.memory_space<vmem>>, vector<16xf32>,
        %parallel_loop3A_442 = arith.constant 48 : i32
        %parallel_loop3A_443 = arith.addi %parallel_loop3A_405, %parallel_loop3A_442 : i32
        %parallel_loop3A_444 = arith.index_cast %parallel_loop3A_443 : i32 to index
        %parallel_loop3A_445 = tpu.vector_load %arg6[%parallel_loop3A_444] {strides = array<i32>} : memref<4096xf32, #tpu.memory_space<vmem>>, vector<16xf32>,
        %parallel_loop3A_446 = vector.shape_cast %parallel_loop3A_445 : vector<16xf32> to vector<16xf32>
        %parallel_loop3A_447 = arith.mulf %mul3A_390, %parallel_loop3A_446 : vector<16xf32>
        %parallel_loop3A_448 = arith.constant 48 : i32
        %parallel_loop3A_449 = arith.addi %parallel_loop3A_403, %parallel_loop3A_448 : i32
        %parallel_loop3A_450 = arith.index_cast %parallel_loop3A_449 : i32 to index
        %parallel_loop3A_451 = tpu.vector_load %arg8[%parallel_loop3A_450] {strides = array<i32>} : memref<2048xf32, #tpu.memory_space<vmem>>, vector<16xf32>,
        %parallel_loop3A_452 = vector.shape_cast %parallel_loop3A_451 : vector<16xf32> to vector<16xf32>
        %parallel_loop3A_453 = vector.shape_cast %parallel_loop3A_447 : vector<16xf32> to vector<16xf32>
        tpu.vector_store %arg8[%parallel_loop3A_450], %parallel_loop3A_453 {strides = array<i32>} : memref<2048xf32, #tpu.memory_space<vmem>>, vector<16xf32>,
        %parallel_loop3A_454 = arith.constant 64 : i32
        %parallel_loop3A_455 = arith.addi %parallel_loop3A_405, %parallel_loop3A_454 : i32
        %parallel_loop3A_456 = arith.index_cast %parallel_loop3A_455 : i32 to index
        %parallel_loop3A_457 = tpu.vector_load %arg6[%parallel_loop3A_456] {strides = array<i32>} : memref<4096xf32, #tpu.memory_space<vmem>>, vector<16xf32>,
        %parallel_loop3A_458 = vector.shape_cast %parallel_loop3A_457 : vector<16xf32> to vector<16xf32>
        %parallel_loop3A_459 = arith.mulf %mul3A_390, %parallel_loop3A_458 : vector<16xf32>
        %parallel_loop3A_460 = arith.constant 64 : i32
        %parallel_loop3A_461 = arith.addi %parallel_loop3A_403, %parallel_loop3A_460 : i32
        %parallel_loop3A_462 = arith.index_cast %parallel_loop3A_461 : i32 to index
        %parallel_loop3A_463 = tpu.vector_load %arg8[%parallel_loop3A_462] {strides = array<i32>} : memref<2048xf32, #tpu.memory_space<vmem>>, vector<16xf32>,
        %parallel_loop3A_464 = vector.shape_cast %parallel_loop3A_463 : vector<16xf32> to vector<16xf32>
        %parallel_loop3A_465 = vector.shape_cast %parallel_loop3A_459 : vector<16xf32> to vector<16xf32>
        tpu.vector_store %arg8[%parallel_loop3A_462], %parallel_loop3A_465 {strides = array<i32>} : memref<2048xf32, #tpu.memory_space<vmem>>, vector<16xf32>,
        %parallel_loop3A_466 = arith.constant 80 : i32
        %parallel_loop3A_467 = arith.addi %parallel_loop3A_405, %parallel_loop3A_466 : i32
        %parallel_loop3A_468 = arith.index_cast %parallel_loop3A_467 : i32 to index
        %parallel_loop3A_469 = tpu.vector_load %arg6[%parallel_loop3A_468] {strides = array<i32>} : memref<4096xf32, #tpu.memory_space<vmem>>, vector<16xf32>,
        %parallel_loop3A_470 = vector.shape_cast %parallel_loop3A_469 : vector<16xf32> to vector<16xf32>
        %parallel_loop3A_471 = arith.mulf %mul3A_390, %parallel_loop3A_470 : vector<16xf32>
        %parallel_loop3A_472 = arith.constant 80 : i32
        %parallel_loop3A_473 = arith.addi %parallel_loop3A_403, %parallel_loop3A_472 : i32
        %parallel_loop3A_474 = arith.index_cast %parallel_loop3A_473 : i32 to index
        %parallel_loop3A_475 = tpu.vector_load %arg8[%parallel_loop3A_474] {strides = array<i32>} : memref<2048xf32, #tpu.memory_space<vmem>>, vector<16xf32>,
        %parallel_loop3A_476 = vector.shape_cast %parallel_loop3A_475 : vector<16xf32> to vector<16xf32>
        %parallel_loop3A_477 = vector.shape_cast %parallel_loop3A_471 : vector<16xf32> to vector<16xf32>
        tpu.vector_store %arg8[%parallel_loop3A_474], %parallel_loop3A_477 {strides = array<i32>} : memref<2048xf32, #tpu.memory_space<vmem>>, vector<16xf32>,
        %parallel_loop3A_478 = arith.constant 96 : i32
        %parallel_loop3A_479 = arith.addi %parallel_loop3A_405, %parallel_loop3A_478 : i32
        %parallel_loop3A_480 = arith.index_cast %parallel_loop3A_479 : i32 to index
        %parallel_loop3A_481 = tpu.vector_load %arg6[%parallel_loop3A_480] {strides = array<i32>} : memref<4096xf32, #tpu.memory_space<vmem>>, vector<16xf32>,
        %parallel_loop3A_482 = vector.shape_cast %parallel_loop3A_481 : vector<16xf32> to vector<16xf32>
        %parallel_loop3A_483 = arith.mulf %mul3A_390, %parallel_loop3A_482 : vector<16xf32>
        %parallel_loop3A_484 = arith.constant 96 : i32
        %parallel_loop3A_485 = arith.addi %parallel_loop3A_403, %parallel_loop3A_484 : i32
        %parallel_loop3A_486 = arith.index_cast %parallel_loop3A_485 : i32 to index
        %parallel_loop3A_487 = tpu.vector_load %arg8[%parallel_loop3A_486] {strides = array<i32>} : memref<2048xf32, #tpu.memory_space<vmem>>, vector<16xf32>,
        %parallel_loop3A_488 = vector.shape_cast %parallel_loop3A_487 : vector<16xf32> to vector<16xf32>
        %parallel_loop3A_489 = vector.shape_cast %parallel_loop3A_483 : vector<16xf32> to vector<16xf32>
        tpu.vector_store %arg8[%parallel_loop3A_486], %parallel_loop3A_489 {strides = array<i32>} : memref<2048xf32, #tpu.memory_space<vmem>>, vector<16xf32>,
        %parallel_loop3A_490 = arith.constant 112 : i32
        %parallel_loop3A_491 = arith.addi %parallel_loop3A_405, %parallel_loop3A_490 : i32
        %parallel_loop3A_492 = arith.index_cast %parallel_loop3A_491 : i32 to index
        %parallel_loop3A_493 = tpu.vector_load %arg6[%parallel_loop3A_492] {strides = array<i32>} : memref<4096xf32, #tpu.memory_space<vmem>>, vector<16xf32>,
        %parallel_loop3A_494 = vector.shape_cast %parallel_loop3A_493 : vector<16xf32> to vector<16xf32>
        %parallel_loop3A_495 = arith.mulf %mul3A_390, %parallel_loop3A_494 : vector<16xf32>
        %parallel_loop3A_496 = arith.constant 112 : i32
        %parallel_loop3A_497 = arith.addi %parallel_loop3A_403, %parallel_loop3A_496 : i32
        %parallel_loop3A_498 = arith.index_cast %parallel_loop3A_497 : i32 to index
        %parallel_loop3A_499 = tpu.vector_load %arg8[%parallel_loop3A_498] {strides = array<i32>} : memref<2048xf32, #tpu.memory_space<vmem>>, vector<16xf32>,
        %parallel_loop3A_500 = vector.shape_cast %parallel_loop3A_499 : vector<16xf32> to vector<16xf32>
        %parallel_loop3A_501 = vector.shape_cast %parallel_loop3A_495 : vector<16xf32> to vector<16xf32>
        tpu.vector_store %arg8[%parallel_loop3A_498], %parallel_loop3A_501 {strides = array<i32>} : memref<2048xf32, #tpu.memory_space<vmem>>, vector<16xf32>,
      } {sc.loop_unroll_factor = 2 : i64, sc.parallel_access}
      %dma_start3A_393 = tpu.memref_slice %arg4[%multiple_of3A] : memref<65536xf32, #tpu.memory_space<hbm>> -> memref<2048xf32, #tpu.memory_space<hbm>>
      %dma_start3A_394 = tpu.memref_slice %arg4[%multiple_of3A] : memref<65536xf32, #tpu.memory_space<hbm>> -> memref<2048xf32, #tpu.memory_space<hbm>>
      tpu.enqueue_dma source(%arg8 : memref<2048xf32, #tpu.memory_space<vmem>>) target(%dma_start3A_394 : memref<2048xf32, #tpu.memory_space<hbm>>) target_semaphore(%arg13 : memref<!tpu.dma_semaphore, #tpu.memory_space<semaphore_mem>>)
      %eq3A_395 = arith.constant 0 : i32
      %eq3A_396 = arith.cmpi eq, %add3A, %eq3A_395 : i32
      %convert_element_type3A_397 = arith.extui %eq3A_396 : i1 to i32
      %cond3A_398 = arith.constant 0 : i32
      %cond3A_399 = arith.cmpi ne, %convert_element_type3A_397, %cond3A_398 : i32
      scf.if %cond3A_399 {
        %mul3A_402 = arith.constant 5.000000e-01 : f32
        %mul3A_403 = vector.broadcast %mul3A_402 : f32 to vector<16xf32>
        %mul3A_404 = arith.mulf %add3A_269, %mul3A_403 : vector<16xf32>
        %sub3A_405 = arith.subf %mul3A_404, %get3A_95 : vector<16xf32>
        %mul3A_406 = arith.constant 1.000000e-01 : f32
        %mul3A_407 = vector.broadcast %mul3A_406 : f32 to vector<16xf32>
        %mul3A_408 = arith.mulf %sub3A_405, %mul3A_407 : vector<16xf32>
        %add3A_409 = arith.addf %get3A_95, %mul3A_408 : vector<16xf32>
        %mul3A_410 = arith.mulf %select_n3A_278, %add3A_409 : vector<16xf32>
        %sub3A_411 = arith.constant 1.000000e+00 : f32
        %sub3A_412 = vector.broadcast %sub3A_411 : f32 to vector<16xf32>
        %sub3A_413 = arith.subf %sub3A_412, %select_n3A_278 : vector<16xf32>
        %mul3A_414 = arith.constant 0.949999988 : f32
        %mul3A_415 = vector.broadcast %mul3A_414 : f32 to vector<16xf32>
        %mul3A_416 = arith.mulf %get3A_95, %mul3A_415 : vector<16xf32>
        %mul3A_417 = arith.mulf %sub3A_413, %mul3A_416 : vector<16xf32>
        %add3A_418 = arith.addf %mul3A_410, %mul3A_417 : vector<16xf32>
        %gt3A_419 = arith.constant 1.000000e-01 : f32
        %gt3A_420 = vector.broadcast %gt3A_419 : f32 to vector<16xf32>
        %gt3A_421 = arith.cmpf ogt, %add3A_269, %gt3A_420 : vector<16xf32>
        %jit3A_422 = arith.constant 0.000000e+00 : f32
        %broadcast_in_dim3A_423 = vector.broadcast %jit3A_422 : f32 to vector<16xf32>
        %select_n3A_424 = arith.select %gt3A_421, %broadcast_in_dim3A_36, %broadcast_in_dim3A_423 : vector<16xi1>, vector<16xf32>
        %iota3A_425 = tpu.iota {dimensions = array<i32: 0>} : vector<16xi32>
        %xor3A_426 = arith.constant 8 : i32
        %xor3A_427 = vector.broadcast %xor3A_426 : i32 to vector<16xi32>
        %xor3A_428 = arith.xori %iota3A_425, %xor3A_427 : vector<16xi32>
        %broadcast_in_dim3A_429 = vector.shape_cast %xor3A_428 : vector<16xi32> to vector<16x1xi32>
        %gather3A_430 = vector.shape_cast %broadcast_in_dim3A_429 : vector<16x1xi32> to vector<16xi32>
        %gather3A_431 = tpu.dynamic_gather %select_n3A_424[%gather3A_430] in [0] : vector<16xf32>, vector<16xi32> -> vector<16xf32>
        %add3A_432 = arith.addf %select_n3A_424, %gather3A_431 : vector<16xf32>
        %xor3A_433 = arith.constant 4 : i32
        %xor3A_434 = vector.broadcast %xor3A_433 : i32 to vector<16xi32>
        %xor3A_435 = arith.xori %iota3A_425, %xor3A_434 : vector<16xi32>
        %broadcast_in_dim3A_436 = vector.shape_cast %xor3A_435 : vector<16xi32> to vector<16x1xi32>
        %gather3A_437 = vector.shape_cast %broadcast_in_dim3A_436 : vector<16x1xi32> to vector<16xi32>
        %gather3A_438 = tpu.dynamic_gather %add3A_432[%gather3A_437] in [0] : vector<16xf32>, vector<16xi32> -> vector<16xf32>
        %add3A_439 = arith.addf %add3A_432, %gather3A_438 : vector<16xf32>
        %xor3A_440 = arith.constant 2 : i32
        %xor3A_441 = vector.broadcast %xor3A_440 : i32 to vector<16xi32>
        %xor3A_442 = arith.xori %iota3A_425, %xor3A_441 : vector<16xi32>
        %broadcast_in_dim3A_443 = vector.shape_cast %xor3A_442 : vector<16xi32> to vector<16x1xi32>
        %gather3A_444 = vector.shape_cast %broadcast_in_dim3A_443 : vector<16x1xi32> to vector<16xi32>
        %gather3A_445 = tpu.dynamic_gather %add3A_439[%gather3A_444] in [0] : vector<16xf32>, vector<16xi32> -> vector<16xf32>
        %add3A_446 = arith.addf %add3A_439, %gather3A_445 : vector<16xf32>
        %xor3A_447 = arith.constant 1 : i32
        %xor3A_448 = vector.broadcast %xor3A_447 : i32 to vector<16xi32>
        %xor3A_449 = arith.xori %iota3A_425, %xor3A_448 : vector<16xi32>
        %broadcast_in_dim3A_450 = vector.shape_cast %xor3A_449 : vector<16xi32> to vector<16x1xi32>
        %gather3A_451 = vector.shape_cast %broadcast_in_dim3A_450 : vector<16x1xi32> to vector<16xi32>
        %gather3A_452 = tpu.dynamic_gather %add3A_446[%gather3A_451] in [0] : vector<16xf32>, vector<16xi32> -> vector<16xf32>
        %add3A_453 = arith.addf %add3A_446, %gather3A_452 : vector<16xf32>
        %iota3A_454 = tpu.iota {dimensions = array<i32: 0>} : vector<16xi32>
        %xor3A_455 = arith.constant 8 : i32
        %xor3A_456 = vector.broadcast %xor3A_455 : i32 to vector<16xi32>
        %xor3A_457 = arith.xori %iota3A_454, %xor3A_456 : vector<16xi32>
        %broadcast_in_dim3A_458 = vector.shape_cast %xor3A_457 : vector<16xi32> to vector<16x1xi32>
        %gather3A_459 = vector.shape_cast %broadcast_in_dim3A_458 : vector<16x1xi32> to vector<16xi32>
        %gather3A_460 = tpu.dynamic_gather %add3A_269[%gather3A_459] in [0] : vector<16xf32>, vector<16xi32> -> vector<16xf32>
        %add3A_461 = arith.addf %add3A_269, %gather3A_460 : vector<16xf32>
        %xor3A_462 = arith.constant 4 : i32
        %xor3A_463 = vector.broadcast %xor3A_462 : i32 to vector<16xi32>
        %xor3A_464 = arith.xori %iota3A_454, %xor3A_463 : vector<16xi32>
        %broadcast_in_dim3A_465 = vector.shape_cast %xor3A_464 : vector<16xi32> to vector<16x1xi32>
        %gather3A_466 = vector.shape_cast %broadcast_in_dim3A_465 : vector<16x1xi32> to vector<16xi32>
        %gather3A_467 = tpu.dynamic_gather %add3A_461[%gather3A_466] in [0] : vector<16xf32>, vector<16xi32> -> vector<16xf32>
        %add3A_468 = arith.addf %add3A_461, %gather3A_467 : vector<16xf32>
        %xor3A_469 = arith.constant 2 : i32
        %xor3A_470 = vector.broadcast %xor3A_469 : i32 to vector<16xi32>
        %xor3A_471 = arith.xori %iota3A_454, %xor3A_470 : vector<16xi32>
        %broadcast_in_dim3A_472 = vector.shape_cast %xor3A_471 : vector<16xi32> to vector<16x1xi32>
        %gather3A_473 = vector.shape_cast %broadcast_in_dim3A_472 : vector<16x1xi32> to vector<16xi32>
        %gather3A_474 = tpu.dynamic_gather %add3A_468[%gather3A_473] in [0] : vector<16xf32>, vector<16xi32> -> vector<16xf32>
        %add3A_475 = arith.addf %add3A_468, %gather3A_474 : vector<16xf32>
        %xor3A_476 = arith.constant 1 : i32
        %xor3A_477 = vector.broadcast %xor3A_476 : i32 to vector<16xi32>
        %xor3A_478 = arith.xori %iota3A_454, %xor3A_477 : vector<16xi32>
        %broadcast_in_dim3A_479 = vector.shape_cast %xor3A_478 : vector<16xi32> to vector<16x1xi32>
        %gather3A_480 = vector.shape_cast %broadcast_in_dim3A_479 : vector<16x1xi32> to vector<16xi32>
        %gather3A_481 = tpu.dynamic_gather %add3A_475[%gather3A_480] in [0] : vector<16xf32>, vector<16xi32> -> vector<16xf32>
        %add3A_482 = arith.addf %add3A_475, %gather3A_481 : vector<16xf32>
        %iota3A_483 = tpu.iota {dimensions = array<i32: 0>} : vector<16xi32>
        %xor3A_484 = arith.constant 8 : i32
        %xor3A_485 = vector.broadcast %xor3A_484 : i32 to vector<16xi32>
        %xor3A_486 = arith.xori %iota3A_483, %xor3A_485 : vector<16xi32>
        %broadcast_in_dim3A_487 = vector.shape_cast %xor3A_486 : vector<16xi32> to vector<16x1xi32>
        %gather3A_488 = vector.shape_cast %broadcast_in_dim3A_487 : vector<16x1xi32> to vector<16xi32>
        %gather3A_489 = tpu.dynamic_gather %add3A_418[%gather3A_488] in [0] : vector<16xf32>, vector<16xi32> -> vector<16xf32>
        %add3A_490 = arith.addf %add3A_418, %gather3A_489 : vector<16xf32>
        %xor3A_491 = arith.constant 4 : i32
        %xor3A_492 = vector.broadcast %xor3A_491 : i32 to vector<16xi32>
        %xor3A_493 = arith.xori %iota3A_483, %xor3A_492 : vector<16xi32>
        %broadcast_in_dim3A_494 = vector.shape_cast %xor3A_493 : vector<16xi32> to vector<16x1xi32>
        %gather3A_495 = vector.shape_cast %broadcast_in_dim3A_494 : vector<16x1xi32> to vector<16xi32>
        %gather3A_496 = tpu.dynamic_gather %add3A_490[%gather3A_495] in [0] : vector<16xf32>, vector<16xi32> -> vector<16xf32>
        %add3A_497 = arith.addf %add3A_490, %gather3A_496 : vector<16xf32>
        %xor3A_498 = arith.constant 2 : i32
        %xor3A_499 = vector.broadcast %xor3A_498 : i32 to vector<16xi32>
        %xor3A_500 = arith.xori %iota3A_483, %xor3A_499 : vector<16xi32>
        %broadcast_in_dim3A_501 = vector.shape_cast %xor3A_500 : vector<16xi32> to vector<16x1xi32>
        %gather3A_502 = vector.shape_cast %broadcast_in_dim3A_501 : vector<16x1xi32> to vector<16xi32>
        %gather3A_503 = tpu.dynamic_gather %add3A_497[%gather3A_502] in [0] : vector<16xf32>, vector<16xi32> -> vector<16xf32>
        %add3A_504 = arith.addf %add3A_497, %gather3A_503 : vector<16xf32>
        %xor3A_505 = arith.constant 1 : i32
        %xor3A_506 = vector.broadcast %xor3A_505 : i32 to vector<16xi32>
        %xor3A_507 = arith.xori %iota3A_483, %xor3A_506 : vector<16xi32>
        %broadcast_in_dim3A_508 = vector.shape_cast %xor3A_507 : vector<16xi32> to vector<16x1xi32>
        %gather3A_509 = vector.shape_cast %broadcast_in_dim3A_508 : vector<16x1xi32> to vector<16xi32>
        %gather3A_510 = tpu.dynamic_gather %add3A_504[%gather3A_509] in [0] : vector<16xf32>, vector<16xi32> -> vector<16xf32>
        %add3A_511 = arith.addf %add3A_504, %gather3A_510 : vector<16xf32>
        %mul3A_512 = arith.constant 6.250000e-02 : f32
        %mul3A_513 = vector.broadcast %mul3A_512 : f32 to vector<16xf32>
        %mul3A_514 = arith.mulf %add3A_511, %mul3A_513 : vector<16xf32>
        %swap3A = arith.constant 0 : index
        %swap3A_515 = tpu.vector_load %arg9[%swap3A] {strides = array<i32>} : memref<48xf32, #tpu.memory_space<vmem>>, vector<16xf32>,
        %swap3A_516 = vector.shape_cast %swap3A_515 : vector<16xf32> to vector<16xf32>
        %swap3A_517 = vector.shape_cast %add3A_269 : vector<16xf32> to vector<16xf32>
        tpu.vector_store %arg9[%swap3A], %swap3A_517 {strides = array<i32>} : memref<48xf32, #tpu.memory_space<vmem>>, vector<16xf32>,
        %swap3A_518 = arith.constant 16 : index
        %swap3A_519 = tpu.vector_load %arg9[%swap3A_518] {strides = array<i32>} : memref<48xf32, #tpu.memory_space<vmem>>, vector<16xf32>,
        %swap3A_520 = vector.shape_cast %swap3A_519 : vector<16xf32> to vector<16xf32>
        %swap3A_521 = vector.shape_cast %add3A_127 : vector<16xf32> to vector<16xf32>
        tpu.vector_store %arg9[%swap3A_518], %swap3A_521 {strides = array<i32>} : memref<48xf32, #tpu.memory_space<vmem>>, vector<16xf32>,
        %mul3A_522 = arith.mulf %select_n3A_101, %add3A_453 : vector<16xf32>
        %mul3A_523 = arith.mulf %select_n3A_107, %add3A_482 : vector<16xf32>
        %add3A_524 = arith.addf %mul3A_522, %mul3A_523 : vector<16xf32>
        %mul3A_525 = arith.mulf %select_n3A_113, %mul3A_514 : vector<16xf32>
        %add3A_526 = arith.addf %add3A_524, %mul3A_525 : vector<16xf32>
        %swap3A_527 = arith.constant 32 : index
        %swap3A_528 = tpu.vector_load %arg9[%swap3A_527] {strides = array<i32>} : memref<48xf32, #tpu.memory_space<vmem>>, vector<16xf32>,
        %swap3A_529 = vector.shape_cast %swap3A_528 : vector<16xf32> to vector<16xf32>
        %swap3A_530 = vector.shape_cast %add3A_526 : vector<16xf32> to vector<16xf32>
        tpu.vector_store %arg9[%swap3A_527], %swap3A_530 {strides = array<i32>} : memref<48xf32, #tpu.memory_space<vmem>>, vector<16xf32>,
        "tpu.region"() ({
          %run_scoped3A = tpu.sem_alloc : memref<!tpu.dma_semaphore, #tpu.memory_space<semaphore_mem>>
          tpu.enqueue_dma source(%arg9 : memref<48xf32, #tpu.memory_space<vmem>>) target(%arg5 : memref<48xf32, #tpu.memory_space<hbm>>) target_semaphore(%run_scoped3A : memref<!tpu.dma_semaphore, #tpu.memory_space<semaphore_mem>>)
          tpu.wait_dma2 semaphore(%run_scoped3A : memref<!tpu.dma_semaphore, #tpu.memory_space<semaphore_mem>>) src(%arg9 : memref<48xf32, #tpu.memory_space<vmem>>) dst(%arg5 : memref<48xf32, #tpu.memory_space<hbm>>)
          tpu.yield
        }) : () -> ()
      } else {
      }
      %dma_wait3A_400 = tpu.memref_slice %arg4[%multiple_of3A] : memref<65536xf32, #tpu.memory_space<hbm>> -> memref<2048xf32, #tpu.memory_space<hbm>>
      %dma_wait3A_401 = tpu.memref_slice %arg4[%multiple_of3A] : memref<65536xf32, #tpu.memory_space<hbm>> -> memref<2048xf32, #tpu.memory_space<hbm>>
      tpu.wait_dma2 semaphore(%arg13 : memref<!tpu.dma_semaphore, #tpu.memory_space<semaphore_mem>>) src(%arg8 : memref<2048xf32, #tpu.memory_space<vmem>>) dst(%dma_wait3A_401 : memref<2048xf32, #tpu.memory_space<hbm>>)
    } else {
    }
    return
  }
}

</mosaic_0001>

<sc_bundles>
// kernel: _fwd.3.cloned.1.call-start
scs
__scs_entry_jumppad:
0x0: {  	(pc) =	sbr.rel $0x88, $3  }
0x1: {  	(tag) =	ssettag $0x0;
	lr =	simm.s32 $0x1  }
0x2: {  	[smem:$0x3F9F] =	sst lr;
	_ =	strace $0xD0000000  }
0x3: {  	_ = 	snop  }
0x4: {  	_ = 	snop  }
0x5: {  	_ = 	snop  }
0x6: {  	_ = 	snop  }
0x7: {  	_ = 	snop  }
__scs_overlays_trampoline_lowered:
0x8: {  	[smem:$0x3FAE] =	sst s0  }
0x9: {  	[smem:$0x3FAF] =	sst s1  }
0xa: {  	[smem:$0x3FB0] =	sst s2  }
0xb: {  	[smem:$0x3FB1] =	sst s3  }
0xc: {  	[smem:$0x3FB2] =	sst s4  }
0xd: {  	[smem:$0x3FB3] =	sst s5  }
0xe: {  	[smem:$0x3FB4] =	sst s6  }
0xf: {  	[smem:$0x3FB5] =	sst s7  }
0x10: {  	[smem:$0x3FB6] =	sst s8  }
0x11: {  	[smem:$0x3FB7] =	sst s9;
	s0 =	simm.s32 @!p0 $0x0  }
0x12: {  	s1 =	sld [smem:$0x3F9D];
	s0 =	simm.s32 @p0 $0x1  }
0x13: {  	[smem:$0x3FB8] =	sst s0;
	s0 =	simm.s32 @!p1 $0x0  }
0x14: {  	s2 =	sld [smem:$0x3F9C];
	s0 =	simm.s32 @p1 $0x1  }
0x15: {  	[smem:$0x3FB9] =	sst s0;
	s0 =	simm.s32 @!p2 $0x0  }
0x16: {  	s3 =	sld [smem:$0x3FDB];
	s0 =	simm.s32 @p2 $0x1  }
0x17: {  	s4 =	simm.s32 $0x1BF5;
	[smem:$0x3FBB] =	sst s0  }
0x18: {  	s0 =	sld [smem:$0x3F9E];
	_ =	swait.ge [sflag:s4], $0x0  }
0x19: {  	s7 =	sld [smem:$0x3F9F]  }
0x1a: {  	s8 =	sadd.s32 $0xFFFFE003, lr  }
0x1b: {  	s9 =	sadd.s32 $0xFFFFFEF7, lr;
	s5 =	simm.s32 $0xFFFFFFFF;
	p2 =	slt.u32 s8, $0xFFFFF086  }
0x1c: {  	p1 =	slt.u32 s9, $0xF7A;
	s5 =	simm.s32 @!p2 $0x0  }
0x1d: {  	s5 =	simm.s32 @p1 $0x1;
	p0 =	seq.s32 s7, s2  }
0x1e: {  	s7 =	smul.u32 @!p0 $0xF7A, s2;
	p2 =	seq.s32 @!p0 s5, $0x0  }
0x1f: {  	s9 =	smul.u32 $0xF7A, s1;
	s8 =	simm.s32 @!p0 $0x1BF5;
	p2 =	por !p2, p0  }
0x20: {  	[sflag:s8] =	ssyncset.s32 @!p0 $0xFFFFF086;
	s6 =	sadd.s32 @!p0 s3, s7;
	s7 =	simm.s32 @!p0 $0x108  }
0x21: {  	s3 =	sadd.s32 s3, s9;
	s6 =	sadd.s32 @!p0 $0x88, s6;
	s7 =	simm.s32 @p2 $0x1082  }
0x22: {  	[simem:s7], [sflag:s8] =	dma.local @!p0 [hbm:s6], $0xF7A  }
0x23: {  	s9 =	sor.u32 $0xD0000000, s2;
	s6 =	simm.s32 $0x108;
	_ =	swait.ge @!p0 [sflag:s8], $0x0  }
0x24: {  	s3 =	sadd.s32 $0x88, s3;
	s6 =	simm.s32 @!p1 $0x1082;
	[sflag:s4] =	ssyncset.s32 $0xFFFFF086  }
0x25: {  	[simem:s6], [sflag:s4] =	dma.local [hbm:s3], $0xF7A  }
0x26: {  	[smem:$0x3F9F] =	sst s1;
	(tag) =	ssettag s2;
	_ =	strace s9  }
0x27: {  	s1 =	sld [smem:$0x3FAF]  }
0x28: {  	s2 =	sld [smem:$0x3FB0]  }
0x29: {  	s4 =	sld [smem:$0x3FB2]  }
0x2a: {  	p0 =	seq.s32 s5, $0x0;
	s5 =	sld [smem:$0x3FB3]  }
0x2b: {  	s6 =	sld [smem:$0x3FB4]  }
0x2c: {  	s7 =	sld [smem:$0x3FB5]  }
0x2d: {  	s3 =	simm.s32 $0x108;
	s8 =	sld [smem:$0x3FB6]  }
0x2e: {  	s3 =	simm.s32 @!p0 $0x1082;
	s9 =	sld [smem:$0x3FB7]  }
0x2f: {  	lr =	sadd.s32 s0, s3;
	s0 =	sld [smem:$0x3FAE]  }
0x30: {  	s3 =	sld [smem:$0x3FB1]  }
0x31: {  	[smem:$0x3FBA] =	sst s10  }
0x32: {  	s10 =	sld [smem:$0x3FB8];
	_ =	sdelay $0x3  }
0x33: {  	p0 =	seq.s32 s10, $0x1;
	s10 =	sld [smem:$0x3FBA];
	_ =	sdelay $0x3  }
0x34: {  	[smem:$0x3FBA] =	sst s10  }
0x35: {  	s10 =	sld [smem:$0x3FB9];
	_ =	sdelay $0x3  }
0x36: {  	p1 =	seq.s32 s10, $0x1;
	s10 =	sld [smem:$0x3FBA];
	_ =	sdelay $0x3  }
0x37: {  	[smem:$0x3FBA] =	sst s10  }
0x38: {  	s10 =	sld [smem:$0x3FBB]  }
0x39: {  	_ = 	snop;
	(pc) =	sbr.ind lr, $3  }
0x3a: {  	_ = 	snop  }
0x3b: {  	_ = 	snop  }
0x3c: {  	p2 =	seq.s32 s10, $0x1;
	s10 =	sld [smem:$0x3FBA]  }
0x3d: {  	_ =	shalt  }
0x3e: {  	_ =	shalt  }
0x3f: {  	_ =	shalt  }
0x40: {  	_ =	shalt  }
0x41: {  	_ =	shalt  }
0x42: {  	_ =	shalt  }
0x43: {  	_ =	shalt  }
0x44: {  	_ =	shalt  }
0x45: {  	_ =	shalt  }
0x46: {  	_ =	shalt  }
0x47: {  	_ =	shalt  }
0x48: {  	_ =	shalt  }
0x49: {  	_ =	shalt  }
0x4a: {  	_ =	shalt  }
0x4b: {  	_ =	shalt  }
0x4c: {  	_ =	shalt  }
0x4d: {  	_ =	shalt  }
0x4e: {  	_ =	shalt  }
0x4f: {  	_ =	shalt  }
0x50: {  	_ =	shalt  }
0x51: {  	_ =	shalt  }
0x52: {  	_ =	shalt  }
0x53: {  	_ =	shalt  }
0x54: {  	_ =	shalt  }
0x55: {  	_ =	shalt  }
0x56: {  	_ =	shalt  }
0x57: {  	_ =	shalt  }
0x58: {  	_ =	shalt  }
0x59: {  	_ =	shalt  }
0x5a: {  	_ =	shalt  }
0x5b: {  	_ =	shalt  }
0x5c: {  	_ =	shalt  }
0x5d: {  	_ =	shalt  }
0x5e: {  	_ =	shalt  }
0x5f: {  	_ =	shalt  }
0x60: {  	_ =	shalt  }
0x61: {  	_ =	shalt  }
0x62: {  	_ =	shalt  }
0x63: {  	_ =	shalt  }
0x64: {  	_ =	shalt  }
0x65: {  	_ =	shalt  }
0x66: {  	_ =	shalt  }
0x67: {  	_ =	shalt  }
0x68: {  	_ =	shalt  }
0x69: {  	_ =	shalt  }
0x6a: {  	_ =	shalt  }
0x6b: {  	_ =	shalt  }
0x6c: {  	_ =	shalt  }
0x6d: {  	_ =	shalt  }
0x6e: {  	_ =	shalt  }
0x6f: {  	_ =	shalt  }
0x70: {  	_ =	shalt  }
0x71: {  	_ =	shalt  }
0x72: {  	_ =	shalt  }
0x73: {  	_ =	shalt  }
0x74: {  	_ =	shalt  }
0x75: {  	_ =	shalt  }
0x76: {  	_ =	shalt  }
0x77: {  	_ =	shalt  }
0x78: {  	_ =	shalt  }
0x79: {  	_ =	shalt  }
0x7a: {  	_ =	shalt  }
0x7b: {  	_ =	shalt  }
0x7c: {  	_ =	shalt  }
0x7d: {  	_ =	shalt  }
0x7e: {  	_ =	shalt  }
0x7f: {  	_ =	shalt  }
0x80: {  	_ =	shalt  }
0x81: {  	_ =	shalt  }
0x82: {  	_ =	shalt  }
0x83: {  	_ =	shalt  }
0x84: {  	_ =	shalt  }
0x85: {  	_ =	shalt  }
0x86: {  	_ =	shalt  }
0x87: {  	_ =	shalt  }
.Lfunc_end0:
.L_simem_size_0:
called_computation_lowered:
.L_overlay_start_0:
0x88: {  	s2 =	sld [smem:$0x3FD9]  }
0x89: {  	s3 =	sld [smem:$0x3FFE];
	_ =	sdelay $0x1  }
0x8a: {  	s1 =	srdreg.scid  }
0x8b: {  	s0 =	sand.u32 $0x1, s1  }
0x8c: {  	s15 =	sshll.u32 s0, $0xA;
	s2 =	sadd.s32 s3, s2  }
0x8d: {  	s2 =	sadd.s32 s2, s15  }
0x8e: {  	[smem:$0x3FC6] =	sst s2  }
0x8f: {  	_ = 	snop  }
0x90: {  	s2 =	sld [smem:$0x3FD0];
	_ =	sdelay $0x1  }
0x91: {  	s16 =	sld [smem:$0x3FC9]  }
0x92: {  	s5 =	simm.s32 $0xA;
	s6 =	simm.s32 $0x10;
	s4 =	sld [smem:$0x3FC8]  }
0x93: {  	[smem:s6], [sflag:s5] =	dma.local [hbm:s2], $0x1  }
0x94: {  	_ =	swait.eq [sflag:s5], $0x1  }
0x95: {  	[sflag:s5] =	ssyncset.done $0x0  }
0x96: {  	s17 =	sld [smem:$0x10];
	[sflag:s5] =	ssyncadd.s32 $0xFFFFFFFF  }
0x97: {  	s18 =	sld [smem:$0x11];
	(tm) =	ssettm $0x1  }
0x98: {  	s19 =	sld [smem:$0x3FFB];
	_ =	sdelay $0x3  }
0x99: {  	_ =	strace s19  }
0x9a: {  	s6 =	sld [smem:$0x3FFC];
	_ =	sdelay $0x3  }
0x9b: {  	_ =	strace s6  }
0x9c: {  	s6 =	sld [smem:$0x3FFD];
	_ =	sdelay $0x3  }
0x9d: {  	_ =	strace s6  }
0x9e: {  	_ =	strace $0x8FFFFFFF  }
0x9f: {  	s20 =	sld [smem:$0x3FDB];
	_ =	sdelay $0x1  }
0xa0: {  	s7 =	simm.s32 $_scs_section_size  }
0xa1: {  	s8 =	simm.s32 $_size__tile_overlayer_lowered;
	s9 =	simm.s32 $_tile_overlayer_lowered  }
0xa2: {  	s23 =	simm.s32 $0x1BFF;
	s22 =	sshll.u32 s9, $0x1;
	s6 =	sadd.s32 s7, s20  }
0xa3: {  	s10 =	simm.s32 $0x0;
	s21 =	sshll.u32 s8, $0x1;
	s8 =	sadd.s32 s22, s6  }
0xa4: {  	[timem:s10], [sflag:s23] =	dma.local [hbm:s8], s21  }
0xa5: {  	_ =	swait.ge [sflag:s23], s21  }
0xa6: {  	s7 =	ssub.s32 $0x0, s21;
	[sflag:s23] =	ssyncset.done $0x0  }
0xa7: {  	[sflag:s23] =	ssyncadd.s32 s7;
	_ =	sdelay $0x1  }
0xa8: {  	s24 =	simm.s32 $0x1B8B  }
0xa9: {  	_ =	swait.ge [sflag:s24], $0x1  }
0xaa: {  	[sflag:s24] =	ssyncset.done $0x0  }
0xab: {  	s25 =	simm.s32 $0x1B8E;
	[sflag:s24] =	ssyncadd.s32 $0xFFFFFFFF  }
0xac: {  	s26 =	simm.s32 $execute0_lowered;
	[smem:$0x3FD2] =	sst s25  }
0xad: {  	s7 =	sshll.u32 s26, $0x1;
	_ =	strace $0x80000046;
	[dreg:$0x1] =	wrdreg $0xFFFFFFFF  }
0xae: {  	s28 =	simm.s32 $_size_execute0_lowered;
	s6 =	sadd.s32 s6, s7;
	[dreg:$0x0] =	wrdreg $0x0  }
0xaf: {  	s7 =	sshll.u32 s28, $0x1;
	[dreg:$0x2] =	wrdreg s6  }
0xb0: {  	[dreg:$0x3] =	wrdreg s7  }
0xb1: {  	[dreg:$0x4] =	wrdreg $0xC0  }
0xb2: {  	_ =	task [dreg:s10], $0x5FFFF  }
0xb3: {  	[dreg:$0x1] =	wrdreg $0xFFFFFFFF  }
0xb4: {  	[dreg:$0x0] =	wrdreg $0x60  }
0xb5: {  	[dreg:$0x2] =	wrdreg s16  }
0xb6: {  	[dreg:$0x3] =	wrdreg s4  }
0xb7: {  	[dreg:$0x4] =	wrdreg s17  }
0xb8: {  	[dreg:$0x5] =	wrdreg s18  }
0xb9: {  	[dreg:$0x6] =	wrdreg $0x9  }
0xba: {  	_ =	task.clear_ibuf [dreg:s10], $0x7FFFF;
	_ =	strace $0x90000046  }
0xbb: {  	s29 =	simm.s32 $0x9;
	_ =	strace $0x80000048  }
0xbc: {  	_ =	swait.ge [sflag:s29], $0x1  }
0xbd: {  	[sflag:s29] =	ssyncadd.s32 $0xFFFFFFFF  }
0xbe: {  	_ =	strace $0x90000048  }
0xbf: {  	_ =	sfence  }
0xc0: {  	s30 =	sld [smem:$0x0];
	_ =	sdelay $0x2  }
0xc1: {  	s31 =	sshll.u32 s1, $0xD;
	s1 =	sshrl.u32 s1, $0x2  }
0xc2: {  	s3 =	sand.u32 $0x4000, s31;
	s1 =	sadd.s32 s1, s30  }
0xc3: {  	s0 =	sor.u32 s3, s0;
	s1 =	sshll.u32 s1, $0x11  }
0xc4: {  	s0 =	sor.u32 s1, s0  }
0xc5: {  	s0 =	sadd.s32 $0x8F2B, s0  }
0xc6: {  	[sflag:s0] =	ssyncadd.remote.s32 $0x1  }
0xc7: {  	_ =	sfence.sel $0xFFFF  }
0xc8: {  	[dreg:$0x0] =	wrdreg $0xFFFFFFFF;
	(pc) =	sbr.abs _section_cstart, $3  }
0xc9: {  	[dreg:$0x1] =	wrdreg $0xFFFFFFFF  }
0xca: {  	_ =	task.clear_ibuf [dreg:s10], $0x2FFFF;
	_ =	strace $0x9FFFFFFF  }
0xcb: {  	(tm) =	ssettm $0x7FFFFFFF  }
tec
execute0_lowered:
.L_overlay_start_1:
0x0: {  	(tag) =	ssettag $0x1  }
0x1: {  	s2 =	rddreg [dreg:$0x1]  }
0x2: {  	s1 =	srdreg.scid;
	s9 =	rddreg [dreg:$0x2]  }
0x3: {  	s0 =	stileid.u32;
	v0 =	vimm.s32 $0x76543210;
	v1 =	vimm.s32 $0xBA98FEDC;
	s4 =	rddreg [dreg:$0x3]  }
0x4: {  	v2 =	vimm.s32 $0xFEDCBA98;
	s6 =	simm.s32 $0x1;
	v4 =	vimm.s32 $0xDCFE98BA;
	s3 =	rddreg [dreg:$0x4];
	s5 =	simm.s32 $0x0;
	v5 =	vimm.s32 $0x54761032  }
0x5: {  	v6 =	vimm.s32 $0xEFCDAB89;
	v7 =	vimm.s32 $0x67452301;
	s14 =	simm.s32 $0x2;
	s15 =	simm.s32 $0x3;
	s17 =	simm.s32 $0x1C00  }
0x6: {  	vm0 =	vcmask $0x300;
	s18 =	simm.s32 $0x5;
	s7 =	sand.u32 $0x1, s1;
	s1 =	rddreg [dreg:$0x0];
	v0 =	vunpack.c.l.s4.s8 v0;
	v1 =	vunpack.c.l.s4.s8 v1  }
0x7: {  	s19 =	simm.s32 $0x0;
	v4 =	vunpack.c.l.s4.s8 v4;
	[smem:$0x7FF] =	sst s5;
	v5 =	vunpack.c.l.s4.s8 v5;
	v6 =	vunpack.c.l.s4.s8 v6;
	s16 =	sor.u32 s7, s0  }
0x8: {  	v7 =	vunpack.c.l.s4.s8 v7;
	p1 =	seq.s32 s7, $0x1;
	s8 =	ssub.s32 $0x2, s7;
	p0 =	seq.s32 s16, $0x0;
	v3 =	vunpack.c.0.s8.s32 v0;
	v0 =	vunpack.c.l.s4.s8 v2  }
0x9: {  	s11 =	sshll.u32 s7, $0xB;
	_ =	strace $0x80000047;
	v2 =	vimm.s32 $0x32107654;
	v4 =	vunpack.c.0.s8.s32 v4;
	v5 =	vunpack.c.0.s8.s32 v5;
	p0 =	por !p0, !p1  }
0xa: {  	s31 =	sshll.u32 s7, $0x8;
	s29 =	sshrl.u32 s8, $0x1;
	v6 =	vunpack.c.0.s8.s32 v6;
	v7 =	vunpack.c.0.s8.s32 v7;
	v2 =	vunpack.c.l.s4.s8 v2;
	p0 =	por !p0, !p0  }
0xb: {  	v1 =	vunpack.c.0.s8.s32 v1;
	s13 =	ssub.s32 s8, s29;
	p1 =	sne.s32 s16, $0x0;
	v8 =	vunpack.c.0.s8.s32 v0;
	v4 =	vcombine.low v5, v4;
	s6 =	simm.s32 @!p0 $0x0  }
.Ltmp0:
0xc: {  	s16 =	simm.s32 $0x1400;
	v5 =	vcombine.low v7, v6;
	v7 =	vimm.f32 $1.000000000e+00;
	v2 =	vunpack.c.0.s8.s32 v2;
	s12 =	ssub.s32 s0, s6;
	(pc) =	sbr.rel .LBB2_1-.Ltmp0, $4  }
0xd: {  	vm1 =	vcmask $0xB08;
	v0 =	vimm.s32 $0x0;
	v7 =	vsel vm0, $0x0, v7;
	s6 =	simm.s32 $0x1;
	s10 =	sshll.u32 s12, $0xC;
	p0 =	seq.s32 s12, $0x0  }
0xe: {  	v4 =	vand.u32 $0xF, v4;
	v9 =	vcombine.low v2, v1;
	v2 =	vand.u32 $0xF, v8;
	s12 =	simm.s32 $0x1000;
	s30 =	sor.u32 s11, s10;
	s10 =	smax.u32 s13, $0x1  }
0xf: {  	v5 =	vand.u32 $0xF, v5;
	v1 =	vimm.f32 $0.0e+00;
	s11 =	sor.u32 $0x80, s11;
	v2 =	vcombine.low v2, v3;
	s13 =	simm.s32 $0x800;
	s8 =	sshrl.u32 s30, $0x3  }
0x10: {  	v6 =	vsel vm0, $0x3F800000, v1;
	vm0 =	vcmask $0x704;
	v3 =	vand.u32 $0xF, v9;
	s7 =	sadd.s32 s9, s8;
	s8 =	sadd.s32 $0x100, s1;
	s9 =	sadd.s32 s9, s31  }
.LBB2_12:
0x11: {  	s19 =	sadd.s32 $0x1, s19  }
0x12: {  	p2 =	sne.s32 s19, s10  }
.Ltmp1:
0x13: {  	_ = 	snop;
	(pc) =	sbr.rel @!p2 .LBB2_13-.Ltmp1, $4  }
0x14: {  	_ = 	snop  }
0x15: {  	_ =	swait.ge [sflag:s20], $0x800  }
0x16: {  	[sflag:s20] =	ssyncset.done $0x0  }
0x17: {  	[sflag:s20] =	ssyncadd.s32 $0xFFFFF800  }
.LBB2_1:
.Ltmp2:
0x18: {  	(pc) =	sbr.rel @p0 .LBB2_5-.Ltmp2, $1  }
0x19: {  	_ =	sdelay $0x3  }
0x1a: {  	s20 =	simm.s32 $0x1480  }
0x1b: {  	[tilespmem:s20+$0xFFFFFF80] =	vst v1  }
0x1c: {  	[tilespmem:s20+$0x70] =	vst v1  }
0x1d: {  	[tilespmem:s20+$0x60] =	vst v1  }
0x1e: {  	[tilespmem:s20+$0x50] =	vst v1  }
0x1f: {  	[tilespmem:s20+$0x40] =	vst v1  }
0x20: {  	[tilespmem:s20+$0x30] =	vst v1  }
0x21: {  	[tilespmem:s20+$0x20] =	vst v1  }
0x22: {  	[tilespmem:s20+$0x10] =	vst v1  }
0x23: {  	[tilespmem:s20+$0x0] =	vst v1  }
0x24: {  	[tilespmem:s20+$0xFFFFFFF0] =	vst v1  }
0x25: {  	[tilespmem:s20+$0xFFFFFFE0] =	vst v1  }
0x26: {  	[tilespmem:s20+$0xFFFFFFD0] =	vst v1  }
0x27: {  	[tilespmem:s20+$0xFFFFFFC0] =	vst v1  }
0x28: {  	[tilespmem:s20+$0xFFFFFFB0] =	vst v1  }
0x29: {  	s21 =	simm.s32 $0x0;
	[tilespmem:s20+$0xFFFFFFA0] =	vst v1  }
.LBB2_3:
0x2a: {  	s21 =	sadd.s32 $0x100, s21;
	[tilespmem:s20+$0xFFFFFF90] =	vst v1;
	s20 =	sadd.s32 $0x100, s20  }
0x2b: {  	[tilespmem:s20+$0xFFFFFF80] =	vst v1;
	p2 =	slt.u32 s21, $0x700  }
0x2c: {  	[tilespmem:s20+$0x70] =	vst v1  }
0x2d: {  	[tilespmem:s20+$0x60] =	vst v1  }
0x2e: {  	[tilespmem:s20+$0x50] =	vst v1  }
0x2f: {  	[tilespmem:s20+$0x40] =	vst v1  }
0x30: {  	[tilespmem:s20+$0x30] =	vst v1  }
0x31: {  	[tilespmem:s20+$0x20] =	vst v1  }
0x32: {  	[tilespmem:s20+$0x10] =	vst v1  }
0x33: {  	[tilespmem:s20+$0x0] =	vst v1  }
0x34: {  	[tilespmem:s20+$0xFFFFFFF0] =	vst v1  }
.Ltmp3:
0x35: {  	[tilespmem:s20+$0xFFFFFFE0] =	vst v1;
	(pc) =	sbr.rel @p2 .LBB2_3-.Ltmp3, $4  }
0x36: {  	[tilespmem:s20+$0xFFFFFFD0] =	vst v1  }
0x37: {  	[tilespmem:s20+$0xFFFFFFC0] =	vst v1  }
0x38: {  	[tilespmem:s20+$0xFFFFFFB0] =	vst v1  }
0x39: {  	[tilespmem:s20+$0xFFFFFFA0] =	vst v1  }
.Ltmp4:
0x3a: {  	(pc) =	sbr.rel .LBB2_12-.Ltmp4, $3  }
0x3b: {  	_ =	sdelay $0x1  }
0x3c: {  	[tilespmem:s20+$0xFFFFFF90] =	vst v1;
	s20 =	simm.s32 $0x5  }
0x3d: {  	[hbm4b:s7+s5] =	stream.linear.scatter [tilespmem:s16], [sflag:$0x5], $0x800, $0x38;
	[tilespmem:$0x1C80] =	vst v63  }
.LBB2_5:
0x3e: {  	s20 =	simm.s32 $0x0  }
0x3f: {  	[tilespmem:s12], [sflag:$0x1] =	stream.linear.gather [hbm4b:s2+s20], $0x380, $0x38;
	[tilespmem:$0x1C80] =	vst v63  }
0x40: {  	_ = 	snop  }
0x41: {  	[tilespmem:s20], [sflag:$0x2] =	stream.linear.gather [hbm4b:s1+s20], $0x800, $0x38;
	[tilespmem:$0x1C80] =	vst v63  }
0x42: {  	_ = 	snop  }
0x43: {  	[tilespmem:s13], [sflag:$0x3] =	stream.linear.gather [hbm4b:s8+s20], $0x800, $0x38;
	[tilespmem:$0x1C80] =	vst v63  }
0x44: {  	_ =	swait.ge [sflag:s6], $0x380  }
0x45: {  	[sflag:s6] =	ssyncset.done $0x0  }
0x46: {  	[sflag:s6] =	ssyncadd.s32 $0xFFFFFC80  }
0x47: {  	v8 =	vld [tilespmem:$0x1000]  }
0x48: {  	v11 =	vld [tilespmem:$0x1080]  }
0x49: {  	v12 =	vld [tilespmem:$0x1100]  }
0x4a: {  	v13 =	vld [tilespmem:$0x1180]  }
0x4b: {  	v15 =	vld [tilespmem:$0x1200]  }
0x4c: {  	v10 =	vld [tilespmem:$0x1280]  }
0x4d: {  	v9 =	vld [tilespmem:$0x1300];
	_ =	swait.ge [sflag:s14], $0x800  }
0x4e: {  	[sflag:s14] =	ssyncset.done $0x0  }
0x4f: {  	s22 =	simm.s32 $0x0;
	[sflag:s14] =	ssyncadd.s32 $0xFFFFF800  }
0x50: {  	v14 =	vld [tilespmem:s22+$0x70]  }
0x51: {  	v17 =	vld [tilespmem:s22+$0x0]  }
0x52: {  	v18 =	vld [tilespmem:s22+$0x10]  }
0x53: {  	v8 =	vmax.f32 v8, $0.0e+00  }
0x54: {  	v16 =	vimm.f32 $0.0e+00;
	v8 =	vmin.f32 v8, $1.000000000e+00  }
0x55: {  	v21 =	vimm.f32 $0.0e+00;
	v24 =	vld [tilespmem:s22+$0x20];
	v13 =	vmul.f32 $6.999999880e-01, v13;
	v8 =	vmul.f32 $3.000000120e-01, v8  }
0x56: {  	v22 =	vimm.f32 $0.0e+00;
	v20 =	vimm.f32 $0.0e+00;
	v26 =	vld [tilespmem:s22+$0x30];
	v19 =	vmul.f32 v14, v14  }
0x57: {  	v23 =	vld [tilespmem:s22+$0x40];
	v29 =	vmul.f32 v17, v17;
	v28 =	vmul.f32 v18, v18;
	v8 =	vadd.f32 v13, v8  }
0x58: {  	v25 =	vld [tilespmem:s22+$0x50];
	v17 =	vimm.f32 $0.0e+00;
	v18 =	vimm.f32 $0.0e+00;
	v13 =	vperm.xlane v15, v0  }
0x59: {  	s21 =	simm.s32 $0x400;
	s20 =	simm.s32 $0x80;
	v27 =	vld [tilespmem:s22+$0x60];
	v15 =	vadd.f32 v19, v16;
	v19 =	vimm.f32 $0.0e+00;
	v14 =	vperm.xlane v8, v0  }
.LBB2_6:
0x5a: {  	p2 =	sne.s32 s21, $0x1E00;
	v30 =	vld [tilespmem:s20+$0x70];
	v16 =	vadd.f32 v29, v16;
	v24 =	vmul.f32 v24, v24  }
0x5b: {  	v29 =	vld [tilespmem:s20+$0x0];
	v21 =	vadd.f32 v28, v21;
	v26 =	vmul.f32 v26, v26  }
0x5c: {  	v28 =	vld [tilespmem:s20+$0x10];
	v22 =	vadd.f32 v24, v22;
	v23 =	vmul.f32 v23, v23  }
.Ltmp5:
0x5d: {  	v24 =	vld [tilespmem:s20+$0x20];
	v20 =	vadd.f32 v26, v20;
	v25 =	vmul.f32 v25, v25;
	(pc) =	sbr.rel @p2 .LBB2_6-.Ltmp5, $4  }
0x5e: {  	v26 =	vld [tilespmem:s20+$0x30];
	v19 =	vadd.f32 v23, v19;
	v27 =	vmul.f32 v27, v27  }
0x5f: {  	v23 =	vld [tilespmem:s20+$0x40];
	v30 =	vmul.f32 v30, v30;
	v17 =	vadd.f32 v25, v17  }
0x60: {  	v29 =	vmul.f32 v29, v29;
	v25 =	vld [tilespmem:s20+$0x50];
	v18 =	vadd.f32 v27, v18  }
0x61: {  	v28 =	vmul.f32 v28, v28;
	v27 =	vld [tilespmem:s20+$0x60];
	s20 =	sshra.s32 s21, $0x2;
	s21 =	sadd.s32 $0x200, s21;
	v15 =	vadd.f32 v30, v15  }
0x62: {  	v30 =	vld [tilespmem:s20+$0x70]  }
0x63: {  	v31 =	vld [tilespmem:s20+$0x0]  }
0x64: {  	v32 =	vld [tilespmem:s20+$0x10]  }
0x65: {  	v33 =	vld [tilespmem:s20+$0x20]  }
0x66: {  	v34 =	vld [tilespmem:s20+$0x30]  }
0x67: {  	v35 =	vld [tilespmem:s20+$0x40]  }
0x68: {  	v36 =	vld [tilespmem:s20+$0x50];
	v24 =	vmul.f32 v24, v24  }
0x69: {  	v37 =	vld [tilespmem:s20+$0x60];
	v16 =	vadd.f32 v29, v16;
	_ =	swait.ge [sflag:s15], $0x800;
	v26 =	vmul.f32 v26, v26  }
0x6a: {  	v21 =	vadd.f32 v28, v21;
	[sflag:s15] =	ssyncset.done $0x0;
	v22 =	vadd.f32 v24, v22;
	v23 =	vmul.f32 v23, v23  }
0x6b: {  	s22 =	simm.s32 $0x0;
	[sflag:s15] =	ssyncadd.s32 $0xFFFFF800;
	v24 =	vadd.f32 v26, v20;
	v20 =	vmul.f32 v25, v25;
	v25 =	vmul.f32 v27, v27  }
0x6c: {  	v28 =	vld [tilespmem:s22+$0x870];
	v23 =	vadd.f32 v23, v19;
	v19 =	vmul.f32 v30, v30;
	v26 =	vmul.f32 v31, v31  }
0x6d: {  	v17 =	vadd.f32 v20, v17;
	v30 =	vld [tilespmem:s22+$0x800];
	v29 =	vadd.f32 v25, v18;
	v18 =	vmul.f32 v32, v32  }
0x6e: {  	v31 =	vadd.f32 v19, v15;
	v20 =	vadd.f32 v26, v16;
	v15 =	vmul.f32 v33, v33;
	v16 =	vld [tilespmem:s22+$0x810]  }
0x6f: {  	v27 =	vld [tilespmem:s22+$0x820];
	v25 =	vmul.f32 v35, v35;
	v21 =	vadd.f32 v18, v21;
	v18 =	vmul.f32 v34, v34  }
0x70: {  	v62 =	vmul.f32 v37, v37;
	v26 =	vld [tilespmem:s22+$0x830];
	v22 =	vadd.f32 v15, v22;
	v15 =	vmul.f32 v36, v36  }
0x71: {  	v63 =	vmul.f32 v28, v28;
	v19 =	vadd.f32 v18, v24;
	v18 =	vadd.f32 v25, v23;
	v25 =	vld [tilespmem:s22+$0x840]  }
0x72: {  	v24 =	vld [tilespmem:s22+$0x850];
	v28 =	vmul.f32 v30, v30;
	v17 =	vadd.f32 v15, v17  }
0x73: {  	s20 =	simm.s32 $0x80;
	s21 =	simm.s32 $0x400;
	v23 =	vld [tilespmem:s22+$0x860];
	v15 =	vadd.f32 v62, v29;
	v29 =	vmul.f32 v16, v16;
	v16 =	vadd.f32 v63, v31  }
.LBB2_8:
0x74: {  	p2 =	sne.s32 s21, $0x1E00;
	v30 =	vld [tilespmem:s20+$0x870];
	v20 =	vadd.f32 v28, v20;
	v27 =	vmul.f32 v27, v27  }
0x75: {  	v28 =	vld [tilespmem:s20+$0x800];
	v21 =	vadd.f32 v29, v21;
	v26 =	vmul.f32 v26, v26  }
0x76: {  	v29 =	vld [tilespmem:s20+$0x810];
	v22 =	vadd.f32 v27, v22;
	v25 =	vmul.f32 v25, v25  }
.Ltmp6:
0x77: {  	v27 =	vld [tilespmem:s20+$0x820];
	v19 =	vadd.f32 v26, v19;
	v24 =	vmul.f32 v24, v24;
	(pc) =	sbr.rel @p2 .LBB2_8-.Ltmp6, $4  }
0x78: {  	v26 =	vld [tilespmem:s20+$0x830];
	v18 =	vadd.f32 v25, v18;
	v23 =	vmul.f32 v23, v23  }
0x79: {  	v25 =	vld [tilespmem:s20+$0x840];
	v30 =	vmul.f32 v30, v30;
	v17 =	vadd.f32 v24, v17  }
0x7a: {  	v28 =	vmul.f32 v28, v28;
	v24 =	vld [tilespmem:s20+$0x850];
	v15 =	vadd.f32 v23, v15  }
0x7b: {  	v29 =	vmul.f32 v29, v29;
	v23 =	vld [tilespmem:s20+$0x860];
	s20 =	sshra.s32 s21, $0x2;
	s21 =	sadd.s32 $0x200, s21;
	v16 =	vadd.f32 v30, v16  }
0x7c: {  	v30 =	vld [tilespmem:s20+$0x800]  }
0x7d: {  	v31 =	vld [tilespmem:s20+$0x810];
	_ =	sdelay $0x1  }
0x7e: {  	v32 =	vld [tilespmem:s20+$0x820];
	_ =	sdelay $0x1  }
0x7f: {  	v20 =	vadd.f32 v28, v20;
	v27 =	vmul.f32 v27, v27;
	v56 =	vld [tilespmem:s20+$0x830]  }
0x80: {  	v59 =	vld [tilespmem:s20+$0x840];
	v21 =	vadd.f32 v29, v21;
	v57 =	vmul.f32 v30, v30;
	v58 =	vmul.f32 v31, v31  }
0x81: {  	v26 =	vmul.f32 v26, v26;
	v22 =	vadd.f32 v27, v22  }
0x82: {  	v60 =	vmul.f32 v32, v32;
	v20 =	vadd.f32 v57, v20;
	v21 =	vadd.f32 v58, v21  }
0x83: {  	v61 =	vld [tilespmem:s20+$0x850];
	v25 =	vmul.f32 v25, v25;
	v19 =	vadd.f32 v26, v19  }
0x84: {  	v28 =	vmul.f32 v56, v56;
	v22 =	vadd.f32 v60, v22;
	v20 =	vadd.f32 v21, v20  }
0x85: {  	v62 =	vld [tilespmem:s20+$0x860];
	v18 =	vadd.f32 v25, v18;
	v63 =	vmul.f32 v59, v59  }
0x86: {  	v19 =	vadd.f32 v28, v19;
	v21 =	vmul.f32 v24, v24;
	v20 =	vadd.f32 v22, v20  }
0x87: {  	v23 =	vmul.f32 v23, v23;
	v18 =	vadd.f32 v63, v18;
	v22 =	vld [tilespmem:s20+$0x870]  }
0x88: {  	v17 =	vadd.f32 v21, v17;
	v21 =	vmul.f32 v61, v61;
	v19 =	vadd.f32 v19, v20  }
0x89: {  	v15 =	vadd.f32 v23, v15  }
0x8a: {  	v20 =	vmul.f32 v62, v62;
	v17 =	vadd.f32 v21, v17;
	v18 =	vadd.f32 v18, v19;
	_ =	sdelay $0x1  }
0x8b: {  	v15 =	vadd.f32 v20, v15;
	v19 =	vmul.f32 v22, v22;
	v17 =	vadd.f32 v17, v18;
	_ =	sdelay $0x1  }
0x8c: {  	v16 =	vadd.f32 v19, v16;
	v15 =	vadd.f32 v15, v17;
	_ =	sdelay $0x1  }
0x8d: {  	v15 =	vadd.f32 v16, v15;
	_ =	sdelay $0x1  }
0x8e: {  	v16 =	vperm.xlane v15, v2;
	_ =	sdelay $0x1  }
0x8f: {  	v15 =	vadd.f32 v16, v15;
	_ =	sdelay $0x1  }
0x90: {  	v16 =	vperm.xlane v15, v3;
	_ =	sdelay $0x1  }
0x91: {  	v15 =	vadd.f32 v16, v15;
	_ =	sdelay $0x1  }
0x92: {  	v16 =	vperm.xlane v15, v4;
	_ =	sdelay $0x1  }
0x93: {  	v15 =	vadd.f32 v16, v15;
	_ =	sdelay $0x1  }
0x94: {  	v16 =	vperm.xlane v15, v5;
	_ =	sdelay $0x1  }
0x95: {  	v15 =	vadd.f32 v16, v15;
	_ =	sdelay $0x1  }
0x96: {  	v15 =	vmax.f32 v15, $9.999999960e-13  }
0x97: {  	v16 =	vshrl.u32 v15, $0x1;
	v17 =	vmul.f32 $5.000000000e-01, v15  }
0x98: {  	v16 =	vsub.s32 $0x5F3759DF, v16  }
0x99: {  	v18 =	vmul.f32 v16, v17;
	_ =	sdelay $0x1  }
0x9a: {  	v18 =	vmul.f32 v16, v18;
	_ =	sdelay $0x1  }
0x9b: {  	v18 =	vsub.f32 $1.500000000e+00, v18;
	_ =	sdelay $0x1  }
0x9c: {  	v16 =	vmul.f32 v16, v18;
	_ =	sdelay $0x1  }
0x9d: {  	v18 =	vmul.f32 v16, v17;
	_ =	sdelay $0x1  }
0x9e: {  	v18 =	vmul.f32 v18, v16;
	_ =	sdelay $0x1  }
0x9f: {  	v18 =	vsub.f32 $1.500000000e+00, v18;
	_ =	sdelay $0x1  }
0xa0: {  	v16 =	vmul.f32 v18, v16;
	_ =	sdelay $0x1  }
0xa1: {  	v17 =	vmul.f32 v16, v17;
	_ =	sdelay $0x1  }
0xa2: {  	v17 =	vmul.f32 v17, v16;
	_ =	sdelay $0x1  }
0xa3: {  	v17 =	vsub.f32 $1.500000000e+00, v17;
	_ =	sdelay $0x1  }
0xa4: {  	v12 =	vmul.f32 $8.999999760e-01, v12;
	vm2 =	vgt.f32 v14, v13;
	v13 =	vmul.f32 v17, v16  }
0xa5: {  	v16 =	vsel vm2, $0x3F800000, v1  }
0xa6: {  	v17 =	vperm.xlane v12, v0;
	v13 =	vmul.f32 v13, v15;
	v15 =	vsub.f32 $1.000000000e+00, v16;
	_ =	sdelay $0x1  }
0xa7: {  	v13 =	vmul.f32 v13, v16;
	v15 =	vmul.f32 v17, v15  }
0xa8: {  	v11 =	vmax.f32 v11, $0.0e+00  }
0xa9: {  	v11 =	vmin.f32 v11, $1.000000000e+00;
	v13 =	vadd.f32 v13, v15  }
0xaa: {  	v10 =	vmul.f32 v10, v11  }
0xab: {  	v12 =	vmul.f32 v7, v12;
	vm2 =	vgt.f32 v11, $1.000000010e-01;
	v13 =	vmul.f32 v6, v13  }
0xac: {  	v11 =	vsel vm2, $0x3F800000, v1  }
0xad: {  	v15 =	vmul.f32 v10, v11;
	v12 =	vadd.f32 v13, v12;
	_ =	sdelay $0x1  }
0xae: {  	v10 =	vadd.f32 v12, v15;
	_ =	sdelay $0x1  }
0xaf: {  	vm2 =	vgt.f32 v10, $1.000000010e-01  }
0xb0: {  	v11 =	vsel vm2, $0x3F800000, v1  }
0xb1: {  	v13 =	vsub.f32 $1.000000000e+00, v11;
	_ =	sdelay $0x1  }
0xb2: {  	v12 =	vmul.f32 v11, v10;
	v17 =	vmul.f32 $3.000000010e+38, v13;
	_ =	sdelay $0x1  }
0xb3: {  	v12 =	vadd.f32 v17, v12;
	_ =	sdelay $0x1  }
0xb4: {  	v17 =	vperm.xlane v12, v0;
	_ =	sdelay $0x1  }
0xb5: {  	v18 =	vperm.xlane v11, v2;
	vm2 =	vlt.f32 v12, v17  }
0xb6: {  	v12 =	vsel vm2, $0x3F800000, v1  }
0xb7: {  	v17 =	vadd.f32 v11, v18;
	v18 =	vperm.xlane v12, v2;
	_ =	sdelay $0x1  }
0xb8: {  	v19 =	vperm.xlane v17, v3;
	v12 =	vadd.f32 v12, v18;
	_ =	sdelay $0x1  }
0xb9: {  	v17 =	vadd.f32 v17, v19;
	v18 =	vperm.xlane v12, v3;
	_ =	sdelay $0x1  }
0xba: {  	v19 =	vperm.xlane v17, v4;
	v12 =	vadd.f32 v12, v18;
	_ =	sdelay $0x1  }
0xbb: {  	v17 =	vadd.f32 v17, v19;
	v18 =	vperm.xlane v12, v4;
	_ =	sdelay $0x1  }
0xbc: {  	v19 =	vperm.xlane v17, v5;
	v18 =	vadd.f32 v12, v18;
	_ =	sdelay $0x1  }
0xbd: {  	v12 =	vadd.f32 v17, v19;
	v17 =	vperm.xlane v18, v5;
	_ =	sdelay $0x1  }
0xbe: {  	v17 =	vadd.f32 v18, v17;
	v18 =	vadd.f32 $-4.000000000e+00, v12;
	_ =	sdelay $0x1  }
0xbf: {  	v19 =	vperm.xlane v11, v0;
	vm2 =	vlt.f32 v17, v18  }
0xc0: {  	v17 =	vsel vm2, $0x3F800000, v1  }
0xc1: {  	vm2 =	vgt.f32 v12, $4.000000000e+00;
	v17 =	vmul.f32 v17, v19  }
0xc2: {  	v18 =	vsel vm2, $0x3F800000, v1  }
0xc3: {  	v17 =	vmul.f32 v17, v18;
	_ =	sdelay $0x1  }
0xc4: {  	v15 =	vadd.f32 $1.000000000e+00, v15;
	v17 =	vmul.f32 $3.000000120e-01, v17;
	_ =	sdelay $0x1  }
0xc5: {  	v15 =	vperm.xlane v15, v0;
	v17 =	vsub.f32 $1.000000000e+00, v17;
	_ =	sdelay $0x1  }
0xc6: {  	v15 =	vmul.f32 v17, v15  }
0xc7: {  	v17 =	vld [tilespmem:s11+$0x0]  }
0xc8: {  	v14 =	vmul.f32 $3.000000120e-01, v14;
	v15 =	vmul.f32 v15, v16;
	_ =	sdelay $0x1  }
0xc9: {  	v14 =	vmul.f32 v15, v14  }
0xca: {  	v15 =	vld [tilespmem:s11+$0xFFFFFF80]  }
0xcb: {  	v16 =	vmul.f32 v17, v14  }
0xcc: {  	s20 =	simm.s32 $0x1480  }
0xcd: {  	[tilespmem:s20+$0x0] =	vst v16  }
0xce: {  	v16 =	vld [tilespmem:s11+$0x10]  }
0xcf: {  	v15 =	vmul.f32 v15, v14;
	_ =	sdelay $0x1  }
0xd0: {  	[tilespmem:s20+$0xFFFFFF80] =	vst v15  }
0xd1: {  	v15 =	vld [tilespmem:s11+$0xFFFFFF90]  }
0xd2: {  	v16 =	vmul.f32 v16, v14  }
0xd3: {  	s22 =	sadd.s32 $0x100, s11  }
0xd4: {  	[tilespmem:s20+$0x10] =	vst v16;
	v16 =	vld [tilespmem:s22+$0x0]  }
0xd5: {  	v17 =	vld [tilespmem:s11+$0x20]  }
0xd6: {  	v15 =	vmul.f32 v15, v14;
	_ =	sdelay $0x1  }
0xd7: {  	[tilespmem:s20+$0xFFFFFF90] =	vst v15;
	v15 =	vld [tilespmem:s22+$0xFFFFFF80]  }
0xd8: {  	v18 =	vld [tilespmem:s11+$0xFFFFFFA0];
	v16 =	vmul.f32 v16, v14  }
0xd9: {  	s21 =	simm.s32 $0x1580;
	v17 =	vmul.f32 v17, v14  }
0xda: {  	[tilespmem:s21+$0x0] =	vst v16  }
0xdb: {  	v16 =	vld [tilespmem:s22+$0x10];
	[tilespmem:s20+$0x20] =	vst v17  }
0xdc: {  	v15 =	vmul.f32 v15, v14;
	v17 =	vld [tilespmem:s11+$0x30]  }
0xdd: {  	v18 =	vmul.f32 v18, v14  }
0xde: {  	[tilespmem:s21+$0xFFFFFF80] =	vst v15  }
0xdf: {  	v15 =	vld [tilespmem:s22+$0xFFFFFF90];
	[tilespmem:s20+$0xFFFFFFA0] =	vst v18  }
0xe0: {  	v18 =	vld [tilespmem:s11+$0xFFFFFFB0];
	v16 =	vmul.f32 v16, v14  }
0xe1: {  	s23 =	sadd.s32 $0x100, s22;
	v17 =	vmul.f32 v17, v14  }
0xe2: {  	[tilespmem:s21+$0x10] =	vst v16;
	v16 =	vld [tilespmem:s23+$0x0]  }
0xe3: {  	[tilespmem:s20+$0x30] =	vst v17;
	v17 =	vld [tilespmem:s22+$0x20]  }
0xe4: {  	v15 =	vmul.f32 v15, v14;
	v19 =	vld [tilespmem:s11+$0x40]  }
0xe5: {  	v18 =	vmul.f32 v18, v14  }
0xe6: {  	[tilespmem:s21+$0xFFFFFF90] =	vst v15;
	v15 =	vld [tilespmem:s23+$0xFFFFFF80]  }
0xe7: {  	[tilespmem:s20+$0xFFFFFFB0] =	vst v18;
	v18 =	vld [tilespmem:s22+$0xFFFFFFA0];
	v16 =	vmul.f32 v16, v14  }
0xe8: {  	s24 =	simm.s32 $0x1680;
	v20 =	vld [tilespmem:s11+$0xFFFFFFC0];
	v17 =	vmul.f32 v17, v14  }
0xe9: {  	[tilespmem:s24+$0x0] =	vst v16;
	v16 =	vmul.f32 v19, v14  }
0xea: {  	v19 =	vld [tilespmem:s23+$0x10];
	[tilespmem:s21+$0x20] =	vst v17  }
0xeb: {  	v15 =	vmul.f32 v15, v14;
	v17 =	vld [tilespmem:s22+$0x30];
	[tilespmem:s20+$0x40] =	vst v16  }
0xec: {  	v16 =	vmul.f32 v18, v14;
	v18 =	vld [tilespmem:s11+$0x50]  }
0xed: {  	[tilespmem:s24+$0xFFFFFF80] =	vst v15;
	v15 =	vmul.f32 v20, v14  }
0xee: {  	v20 =	vld [tilespmem:s23+$0xFFFFFF90];
	[tilespmem:s21+$0xFFFFFFA0] =	vst v16  }
0xef: {  	[tilespmem:s20+$0xFFFFFFC0] =	vst v15;
	v16 =	vmul.f32 v19, v14;
	v19 =	vld [tilespmem:s22+$0xFFFFFFB0]  }
0xf0: {  	s25 =	sadd.s32 $0x100, s23;
	v15 =	vmul.f32 v17, v14;
	v17 =	vld [tilespmem:s11+$0xFFFFFFD0]  }
0xf1: {  	[tilespmem:s24+$0x10] =	vst v16;
	v16 =	vmul.f32 v18, v14;
	v18 =	vld [tilespmem:s25+$0x0]  }
0xf2: {  	[tilespmem:s21+$0x30] =	vst v15;
	v15 =	vld [tilespmem:s23+$0x20]  }
0xf3: {  	v20 =	vmul.f32 v20, v14;
	[tilespmem:s20+$0x50] =	vst v16;
	v16 =	vld [tilespmem:s22+$0x40]  }
0xf4: {  	v19 =	vmul.f32 v19, v14;
	v21 =	vld [tilespmem:s11+$0x60]  }
0xf5: {  	[tilespmem:s24+$0xFFFFFF90] =	vst v20;
	v20 =	vld [tilespmem:s25+$0xFFFFFF80];
	v17 =	vmul.f32 v17, v14  }
0xf6: {  	[tilespmem:s21+$0xFFFFFFB0] =	vst v19;
	v18 =	vmul.f32 v18, v14;
	v19 =	vld [tilespmem:s23+$0xFFFFFFA0]  }
0xf7: {  	s28 =	simm.s32 $0x1780;
	[tilespmem:s20+$0xFFFFFFD0] =	vst v17;
	v15 =	vmul.f32 v15, v14;
	v17 =	vld [tilespmem:s22+$0xFFFFFFC0]  }
0xf8: {  	[tilespmem:s28+$0x0] =	vst v18;
	v16 =	vmul.f32 v16, v14;
	v18 =	vld [tilespmem:s11+$0xFFFFFFE0]  }
0xf9: {  	v22 =	vld [tilespmem:s25+$0x10];
	[tilespmem:s24+$0x20] =	vst v15;
	v15 =	vmul.f32 v21, v14  }
0xfa: {  	v20 =	vmul.f32 v20, v14;
	v21 =	vld [tilespmem:s23+$0x30];
	[tilespmem:s21+$0x40] =	vst v16  }
0xfb: {  	v16 =	vmul.f32 v19, v14;
	v23 =	vld [tilespmem:s22+$0x50];
	[tilespmem:s20+$0x60] =	vst v15  }
0xfc: {  	[tilespmem:s28+$0xFFFFFF80] =	vst v20;
	v17 =	vmul.f32 v17, v14;
	v15 =	vld [tilespmem:s11+$0x70]  }
0xfd: {  	v20 =	vld [tilespmem:s25+$0xFFFFFF90];
	[tilespmem:s24+$0xFFFFFFA0] =	vst v16;
	v16 =	vmul.f32 v18, v14  }
0xfe: {  	v18 =	vmul.f32 v22, v14;
	v19 =	vld [tilespmem:s23+$0xFFFFFFB0];
	[tilespmem:s21+$0xFFFFFFC0] =	vst v17  }
0xff: {  	v17 =	vld [tilespmem:s22+$0xFFFFFFD0];
	[tilespmem:s20+$0xFFFFFFE0] =	vst v16;
	v21 =	vmul.f32 v21, v14  }
0x100: {  	s29 =	simm.s32 $0x300;
	s26 =	simm.s32 $0x1780;
	s30 =	sadd.s32 $0x100, s25;
	[tilespmem:s28+$0x10] =	vst v18;
	v18 =	vmul.f32 v23, v14;
	v16 =	vld [tilespmem:s11+$0xFFFFFFF0]  }
.LBB2_10:
0x101: {  	v22 =	vld [tilespmem:s30+$0x0];
	[tilespmem:s24+$0x30] =	vst v21;
	v15 =	vmul.f32 v15, v14;
	s31 =	smov.u32 s25;
	s25 =	smov.u32 s30  }
0x102: {  	v20 =	vmul.f32 v20, v14;
	v21 =	vld [tilespmem:s31+$0x20];
	[tilespmem:s21+$0x50] =	vst v18  }
0x103: {  	v18 =	vmul.f32 v19, v14;
	v19 =	vld [tilespmem:s23+$0x40];
	[tilespmem:s20+$0x70] =	vst v15  }
0x104: {  	s29 =	sadd.s32 $0x100, s29;
	[tilespmem:s28+$0xFFFFFF90] =	vst v20;
	v15 =	vmul.f32 v17, v14;
	v17 =	vld [tilespmem:s22+$0x60]  }
0x105: {  	p2 =	slt.u32 s29, $0x700;
	v20 =	vld [tilespmem:s30+$0xFFFFFF80];
	[tilespmem:s24+$0xFFFFFFB0] =	vst v18;
	v16 =	vmul.f32 v16, v14  }
0x106: {  	v18 =	vmul.f32 v22, v14;
	v22 =	vld [tilespmem:s31+$0xFFFFFFA0];
	[tilespmem:s21+$0xFFFFFFD0] =	vst v15  }
0x107: {  	s28 =	sadd.s32 $0x100, s28;
	v15 =	vmul.f32 v21, v14;
	v21 =	vld [tilespmem:s23+$0xFFFFFFC0];
	[tilespmem:s20+$0xFFFFFFF0] =	vst v16;
	s20 =	smov.u32 s21;
	s21 =	smov.u32 s24  }
0x108: {  	s24 =	smov.u32 s26;
	s26 =	smov.u32 s28;
	[tilespmem:s28+$0x0] =	vst v18;
	v16 =	vmul.f32 v19, v14;
	v18 =	vld [tilespmem:s22+$0xFFFFFFE0]  }
0x109: {  	v19 =	vld [tilespmem:s30+$0x10];
	[tilespmem:s24+$0x20] =	vst v15;
	v15 =	vmul.f32 v17, v14  }
0x10a: {  	v17 =	vmul.f32 v20, v14;
	v23 =	vld [tilespmem:s31+$0x30];
	[tilespmem:s21+$0x40] =	vst v16  }
0x10b: {  	v16 =	vmul.f32 v22, v14;
	v22 =	vld [tilespmem:s23+$0x50];
	[tilespmem:s20+$0x60] =	vst v15  }
.Ltmp7:
0x10c: {  	[tilespmem:s28+$0xFFFFFF80] =	vst v17;
	v17 =	vmul.f32 v21, v14;
	v15 =	vld [tilespmem:s22+$0x70];
	(pc) =	sbr.rel @p2 .LBB2_10-.Ltmp7, $4  }
0x10d: {  	v20 =	vld [tilespmem:s30+$0xFFFFFF90];
	[tilespmem:s24+$0xFFFFFFA0] =	vst v16;
	v16 =	vmul.f32 v18, v14  }
0x10e: {  	v18 =	vmul.f32 v19, v14;
	v19 =	vld [tilespmem:s31+$0xFFFFFFB0];
	[tilespmem:s21+$0xFFFFFFC0] =	vst v17  }
0x10f: {  	v21 =	vmul.f32 v23, v14;
	v17 =	vld [tilespmem:s23+$0xFFFFFFD0];
	[tilespmem:s20+$0xFFFFFFE0] =	vst v16  }
0x110: {  	s30 =	sadd.s32 $0x100, s30;
	[tilespmem:s28+$0x10] =	vst v18;
	v18 =	vmul.f32 v22, v14;
	v16 =	vld [tilespmem:s22+$0xFFFFFFF0];
	s22 =	smov.u32 s23;
	s23 =	smov.u32 s31  }
0x111: {  	_ = 	snop  }
0x112: {  	v20 =	vmul.f32 v20, v14;
	_ =	sdelay $0x1  }
0x113: {  	v22 =	vld [tilespmem:s25+$0x20];
	[tilespmem:s28+$0xFFFFFF90] =	vst v20  }
0x114: {  	v20 =	vld [tilespmem:s25+$0xFFFFFFA0];
	_ =	sdelay $0x3  }
0x115: {  	v22 =	vmul.f32 v22, v14  }
0x116: {  	v20 =	vmul.f32 v20, v14  }
0x117: {  	[tilespmem:s26+$0x20] =	vst v22  }
0x118: {  	v22 =	vld [tilespmem:s25+$0x30];
	[tilespmem:s26+$0xFFFFFFA0] =	vst v20  }
0x119: {  	v20 =	vld [tilespmem:s25+$0xFFFFFFB0];
	_ =	sdelay $0x2  }
0x11a: {  	v19 =	vmul.f32 v19, v14  }
0x11b: {  	[tilespmem:s24+$0x30] =	vst v21;
	v36 =	vmul.f32 v22, v14  }
0x11c: {  	v37 =	vld [tilespmem:s23+$0x40];
	[tilespmem:s24+$0xFFFFFFB0] =	vst v19;
	v38 =	vmul.f32 v20, v14  }
0x11d: {  	v39 =	vld [tilespmem:s23+$0xFFFFFFC0];
	[tilespmem:s26+$0x30] =	vst v36  }
0x11e: {  	v21 =	vld [tilespmem:s25+$0x40];
	[tilespmem:s26+$0xFFFFFFB0] =	vst v38  }
0x11f: {  	v19 =	vld [tilespmem:s25+$0xFFFFFFC0];
	_ =	sdelay $0x1  }
0x120: {  	v22 =	vmul.f32 v37, v14  }
0x121: {  	v20 =	vmul.f32 v39, v14  }
0x122: {  	[tilespmem:s24+$0x40] =	vst v22;
	v21 =	vmul.f32 v21, v14  }
0x123: {  	v22 =	vld [tilespmem:s23+$0x50];
	[tilespmem:s24+$0xFFFFFFC0] =	vst v20;
	v19 =	vmul.f32 v19, v14  }
0x124: {  	v20 =	vld [tilespmem:s23+$0xFFFFFFD0];
	[tilespmem:s26+$0x40] =	vst v21  }
0x125: {  	v21 =	vld [tilespmem:s25+$0x50];
	[tilespmem:s26+$0xFFFFFFC0] =	vst v19  }
0x126: {  	v19 =	vld [tilespmem:s25+$0xFFFFFFD0]  }
0x127: {  	v17 =	vmul.f32 v17, v14  }
0x128: {  	[tilespmem:s21+$0x50] =	vst v18;
	v40 =	vmul.f32 v22, v14  }
0x129: {  	v41 =	vld [tilespmem:s22+$0x60];
	[tilespmem:s21+$0xFFFFFFD0] =	vst v17;
	v42 =	vmul.f32 v20, v14  }
0x12a: {  	v43 =	vld [tilespmem:s22+$0xFFFFFFE0];
	[tilespmem:s24+$0x50] =	vst v40;
	v44 =	vmul.f32 v21, v14  }
0x12b: {  	v45 =	vld [tilespmem:s23+$0x60];
	[tilespmem:s24+$0xFFFFFFD0] =	vst v42;
	v46 =	vmul.f32 v19, v14  }
0x12c: {  	v47 =	vld [tilespmem:s23+$0xFFFFFFE0];
	[tilespmem:s26+$0x50] =	vst v44  }
0x12d: {  	v18 =	vld [tilespmem:s25+$0x60];
	[tilespmem:s26+$0xFFFFFFD0] =	vst v46  }
0x12e: {  	v48 =	vmul.f32 v41, v14;
	v49 =	vld [tilespmem:s25+$0xFFFFFFE0]  }
0x12f: {  	v20 =	vmul.f32 v43, v14  }
0x130: {  	[tilespmem:s21+$0x60] =	vst v48;
	v50 =	vmul.f32 v45, v14  }
0x131: {  	v51 =	vld [tilespmem:s22+$0x70];
	[tilespmem:s21+$0xFFFFFFE0] =	vst v20;
	v19 =	vmul.f32 v47, v14  }
0x132: {  	v52 =	vld [tilespmem:s22+$0xFFFFFFF0];
	[tilespmem:s24+$0x60] =	vst v50;
	v18 =	vmul.f32 v18, v14  }
0x133: {  	v53 =	vld [tilespmem:s23+$0x70];
	[tilespmem:s24+$0xFFFFFFE0] =	vst v19;
	v54 =	vmul.f32 v49, v14  }
0x134: {  	v55 =	vld [tilespmem:s23+$0xFFFFFFF0];
	[tilespmem:s26+$0x60] =	vst v18  }
0x135: {  	v56 =	vld [tilespmem:s25+$0x70];
	[tilespmem:s26+$0xFFFFFFE0] =	vst v54  }
0x136: {  	v58 =	vld [tilespmem:s25+$0xFFFFFFF0]  }
0x137: {  	v15 =	vmul.f32 v15, v14  }
0x138: {  	v16 =	vmul.f32 v16, v14;
	v57 =	vmul.f32 v51, v14  }
0x139: {  	v59 =	vmul.f32 v52, v14;
	v60 =	vmul.f32 v53, v14  }
0x13a: {  	v61 =	vmul.f32 v55, v14;
	v62 =	vmul.f32 v56, v14  }
0x13b: {  	v63 =	vmul.f32 v58, v14;
	v14 =	vmul.f32 @!p1 $5.000000000e-01, v10;
	_ =	sdelay $0x1  }
0x13c: {  	v14 =	vsub.f32 @!p1 v14, v9;
	_ =	sdelay $0x1  }
0x13d: {  	v14 =	vmul.f32 @!p1 $1.000000010e-01, v14;
	_ =	sdelay $0x1  }
0x13e: {  	v14 =	vadd.f32 @!p1 v14, v9;
	v9 =	vmul.f32 @!p1 $9.499999880e-01, v9;
	_ =	sdelay $0x1  }
0x13f: {  	v11 =	vmul.f32 @!p1 v14, v11;
	v9 =	vmul.f32 @!p1 v13, v9;
	_ =	sdelay $0x1  }
0x140: {  	v9 =	vadd.f32 @!p1 v11, v9;
	_ =	sdelay $0x1  }
0x141: {  	v13 =	vperm.xlane @!p1 v10, v2;
	v11 =	vperm.xlane @!p1 v9, v2;
	_ =	sdelay $0x1  }
0x142: {  	v9 =	vadd.f32 @!p1 v11, v9;
	v11 =	vadd.f32 @!p1 v13, v10;
	_ =	sdelay $0x1  }
0x143: {  	v13 =	vperm.xlane @!p1 v9, v3;
	v14 =	vperm.xlane @!p1 v11, v3;
	_ =	sdelay $0x1  }
0x144: {  	v9 =	vadd.f32 @!p1 v13, v9;
	v11 =	vadd.f32 @!p1 v14, v11;
	_ =	sdelay $0x1  }
0x145: {  	v13 =	vperm.xlane @!p1 v9, v4;
	v14 =	vperm.xlane @!p1 v11, v4;
	_ =	sdelay $0x1  }
0x146: {  	v9 =	vadd.f32 @!p1 v13, v9;
	v11 =	vadd.f32 @!p1 v14, v11  }
0x147: {  	[tilespmem:s20+$0x70] =	vst v15  }
0x148: {  	[tilespmem:s20+$0xFFFFFFF0] =	vst v16;
	v13 =	vperm.xlane @!p1 v9, v5;
	v14 =	vperm.xlane @!p1 v11, v5  }
0x149: {  	[tilespmem:s21+$0x70] =	vst v57  }
0x14a: {  	[tilespmem:s21+$0xFFFFFFF0] =	vst v59;
	v9 =	vadd.f32 @!p1 v13, v9;
	v11 =	vadd.f32 @!p1 v14, v11  }
0x14b: {  	v12 =	vmul.f32 @!p1 v6, v12;
	[tilespmem:s24+$0x70] =	vst v60;
	v13 =	vsel @!p1 vm0, $0x3F800000, v1  }
0x14c: {  	[tilespmem:s24+$0xFFFFFFF0] =	vst v61;
	v9 =	vmul.f32 @!p1 $6.250000000e-02, v9;
	v11 =	vmul.f32 @!p1 v13, v11  }
0x14d: {  	[tilespmem:s26+$0x70] =	vst v62;
	v13 =	vsel @!p1 vm1, $0x3F800000, v1  }
0x14e: {  	[tilespmem:s26+$0xFFFFFFF0] =	vst v63;
	v11 =	vadd.f32 @!p1 v11, v12;
	v9 =	vmul.f32 @!p1 v13, v9  }
0x14f: {  	[hbm4b:s9+s5] =	stream.linear.scatter [tilespmem:s16], [sflag:$0x4], $0x800, $0x38;
	[tilespmem:$0x1C80] =	vst v63  }
0x150: {  	[tilespmem:$0x1C00] =	vst @!p1 v10;
	v9 =	vadd.f32 @!p1 v9, v11  }
0x151: {  	[tilespmem:$0x1C10] =	vst @!p1 v8  }
.Ltmp8:
0x152: {  	[tilespmem:$0x1C20] =	vst @!p1 v9;
	(pc) =	sbr.rel .LBB2_12-.Ltmp8, $4  }
0x153: {  	[hbm4b:s4+s5] =	stream.linear.scatter @!p1 [tilespmem:s17], [sflag:$0x5], $0x80, $0x38;
	[tilespmem:$0x1C80] =	vst v63  }
0x154: {  	_ =	swait.ge @!p1 [sflag:s18], $0x80  }
0x155: {  	[sflag:s18] =	ssyncset.done @!p1 $0x0  }
0x156: {  	s20 =	simm.s32 $0x4;
	[sflag:s18] =	ssyncadd.s32 @!p1 $0xFFFFFF80  }
.LBB2_13:
0x157: {  	_ =	sfence.sel $0x180000  }
0x158: {  	[bflag:$0x0] =	sbarrier.arrive $0xFFFF  }
0x159: {  	p0 =	sne.s32 s0, $0x0;
	_ =	strace $0x90000047  }
0x15a: {  	s0 =	sadd.s32 @!p0 $0x100000, s3;
	[bflag:$0x2] =	sbarrier.arrive $0xFFFF  }
0x15b: {  	[sflag:s0] =	ssyncadd.tile.s32 @!p0 $0x1;
	_ =	shalt  }
.Lfunc_end2:
_tile_overlayer_lowered:
.L_overlay_start_2:
0x15c: {  	(tag) =	ssettag $0x2  }
0x15d: {  	s0 =	rddreg [dreg:$0x0];
	s2 =	stileid.u32  }
0x15e: {  	s1 =	rddreg [dreg:$0x1];
	p0 =	sne.s32 s2, $0x0  }
0x15f: {  	s3 =	rddreg [dreg:$0x2];
	[bflag:$0x3] =	sbarrier.arrive $0xFFFF;
	s2 =	simm.s32 @!p0 $0x1C05  }
0x160: {  	[timem:s3], [sflag:s2] =	dma.local @!p0 [hbm:s0], s1  }
0x161: {  	s0 =	simm.s32 @!p0 $0x5  }
0x162: {  	_ =	swait.ge @!p0 [sflag:s0], s1  }
0x163: {  	s1 =	ssub.s32 @!p0 $0x0, s1;
	[sflag:s0] =	ssyncset.done @!p0 $0x0  }
0x164: {  	[sflag:s0] =	ssyncadd.s32 @!p0 s1  }
0x165: {  	[bflag:$0x3] =	sbarrier.arrive $0xFFFF  }
0x166: {  	_ =	shalt  }

</sc_bundles>
